<compile_context>
chip_gen: v7x
topology: tpu7x:2x2x1
jax: 0.10.2.dev20260603
libtpu: 0.0.44.dev20260713+nightly
codegen_flags: <defaults>
</compile_context>

<pallas_src>
import functools

import jax
import jax.numpy as jnp
from jax import lax
from jax.experimental import pallas as pl
from jax.experimental.pallas import tpu as pltpu
from jax.experimental.pallas import tpu_sc as plsc

N_TOKENS = 8192
D_MODEL = 4096
C_DIM = 256
N_CODES = 64
BN = 512


def _encode_block(x_ref, wenc_ref, benc_ref, g_ref, b_ref, embt_ref,
                  esq_ref, ze_ref, idx_ref, loss_ref):
    acc = jnp.dot(x_ref[...], wenc_ref[...],
                  preferred_element_type=jnp.float32) + benc_ref[...]
    mu = jnp.mean(acc, axis=-1, keepdims=True)
    var = jnp.mean((acc - mu) ** 2, axis=-1, keepdims=True)
    ze = (acc - mu) / jnp.sqrt(var + 1e-5) * g_ref[...] + b_ref[...]
    ze_ref[...] = ze
    zsq = jnp.sum(ze * ze, axis=-1, keepdims=True)
    cross = jnp.dot(ze, embt_ref[...], preferred_element_type=jnp.float32)
    d = zsq - 2.0 * cross + esq_ref[...]
    dmin = jnp.min(d, axis=1, keepdims=True)
    iota = lax.broadcasted_iota(jnp.int32, d.shape, 1)
    idx = jnp.min(jnp.where(d == dmin, iota, jnp.int32(2**30)), axis=1)
    idx_ref[...] = idx

    @pl.when(pl.program_id(0) == 0)
    def _():
        loss_ref[...] = jnp.zeros_like(loss_ref)

    loss_ref[...] += jnp.sum(dmin, axis=0, keepdims=True)


def _decode_table_block(emb_ref, wdec_ref, bdec_ref, out_ref):
    out_ref[...] = jnp.dot(emb_ref[...], wdec_ref[...],
                           preferred_element_type=jnp.float32) + bdec_ref[...]


def _recon_block(idx_ref, dec_ref, xr_ref):
    idx = idx_ref[...]
    onehot = (lax.broadcasted_iota(jnp.int32, (BN, N_CODES), 1)
              == idx[:, None]).astype(jnp.float32)
    xr_ref[...] = jnp.dot(onehot, dec_ref[...],
                          preferred_element_type=jnp.float32)


def _sc_info():
    try:
        info = plsc.get_sparse_core_info()
        return info.num_cores, info.num_subcores
    except Exception:
        return 2, 16


def _zq_compose_body(emb_hbm, idx_hbm, zq_hbm, table_v, idx_v, zq_v,
                     sem_o, *, n_cores, b_per_w):
    wid = lax.axis_index("s") * n_cores + lax.axis_index("c")
    base = wid * b_per_w
    pltpu.sync_copy(emb_hbm, table_v)
    pltpu.sync_copy(idx_hbm.at[pl.ds(base, b_per_w)], idx_v)
    lane = lax.broadcasted_iota(jnp.int32, (16,), 0)
    n_groups = b_per_w // 16
    half_words = (b_per_w // 2) * C_DIM
    descs = []
    for h in range(2):
        g0 = h * (n_groups // 2)
        rowbases = [idx_v[pl.ds((g0 + g) * 16, 16)] * C_DIM
                    for g in range(n_groups // 2)]
        outbases = [(lane + (g0 + g) * 16) * C_DIM
                    for g in range(n_groups // 2)]

        @plsc.parallel_loop(0, C_DIM, unroll=4)
        def col(c):
            for rb, ob in zip(rowbases, outbases):
                vals = plsc.load_gather(table_v, [rb + c])
                plsc.store_scatter(zq_v, [ob + c], vals)

        descs.append(pltpu.make_async_copy(
            zq_v.at[pl.ds(h * half_words, half_words)],
            zq_hbm.at[pl.ds(base * C_DIM + h * half_words, half_words)],
            sem_o))
        descs[-1].start()
    for d in descs:
        d.wait()


def kernel(x, modality, W_enc, b_enc, ln_g, ln_b, embeddings, W_dec, b_dec):
    del modality
    esq = jnp.sum(embeddings * embeddings, axis=-1).reshape(1, N_CODES)
    embt = embeddings.T

    n_blocks = N_TOKENS // BN
    ze, idx, loss_sum = pl.pallas_call(
        _encode_block,
        grid=(n_blocks,),
        in_specs=[
            pl.BlockSpec((BN, D_MODEL), lambda i: (i, 0)),
            pl.BlockSpec((D_MODEL, C_DIM), lambda i: (0, 0)),
            pl.BlockSpec((1, C_DIM), lambda i: (0, 0)),
            pl.BlockSpec((1, C_DIM), lambda i: (0, 0)),
            pl.BlockSpec((1, C_DIM), lambda i: (0, 0)),
            pl.BlockSpec((C_DIM, N_CODES), lambda i: (0, 0)),
            pl.BlockSpec((1, N_CODES), lambda i: (0, 0)),
        ],
        out_specs=[
            pl.BlockSpec((BN, C_DIM), lambda i: (i, 0)),
            pl.BlockSpec((BN,), lambda i: (i,)),
            pl.BlockSpec((1, 1), lambda i: (0, 0)),
        ],
        out_shape=[
            jax.ShapeDtypeStruct((N_TOKENS, C_DIM), jnp.float32),
            jax.ShapeDtypeStruct((N_TOKENS,), jnp.int32),
            jax.ShapeDtypeStruct((1, 1), jnp.float32),
        ],
        compiler_params=pltpu.CompilerParams(
            dimension_semantics=("arbitrary",)),
    )(x, W_enc, b_enc.reshape(1, C_DIM), ln_g.reshape(1, C_DIM),
      ln_b.reshape(1, C_DIM), embt, esq)

    decoded = pl.pallas_call(
        _decode_table_block,
        out_shape=jax.ShapeDtypeStruct((N_CODES, D_MODEL), jnp.float32),
    )(embeddings, W_dec, b_dec.reshape(1, D_MODEL))

    x_recon = pl.pallas_call(
        _recon_block,
        grid=(n_blocks,),
        in_specs=[
            pl.BlockSpec((BN,), lambda i: (i,)),
            pl.BlockSpec((N_CODES, D_MODEL), lambda i: (0, 0)),
        ],
        out_specs=pl.BlockSpec((BN, D_MODEL), lambda i: (i, 0)),
        out_shape=jax.ShapeDtypeStruct((N_TOKENS, D_MODEL), jnp.float32),
        compiler_params=pltpu.CompilerParams(
            dimension_semantics=("arbitrary",)),
    )(idx, decoded)

    nc, ns = _sc_info()
    b_per_w = N_TOKENS // (nc * ns)
    mesh = plsc.VectorSubcoreMesh(core_axis_name="c", subcore_axis_name="s")
    z_q = pl.kernel(
        functools.partial(_zq_compose_body, n_cores=nc, b_per_w=b_per_w),
        out_type=jax.ShapeDtypeStruct((N_TOKENS * C_DIM,), jnp.float32),
        mesh=mesh,
        scratch_types=[
            pltpu.VMEM((N_CODES * C_DIM,), jnp.float32),
            pltpu.VMEM((b_per_w,), jnp.int32),
            pltpu.VMEM((b_per_w * C_DIM,), jnp.float32),
            pltpu.SemaphoreType.DMA,
        ],
        compiler_params=pltpu.CompilerParams(needs_layout_passes=False),
    )(embeddings.reshape(N_CODES * C_DIM), idx)
    z_q = z_q.reshape(N_TOKENS, C_DIM)

    loss = (loss_sum[0, 0] / (N_TOKENS * C_DIM)).reshape(())
    return (x_recon, loss, idx, ze, z_q)

# --- scband reference (transcript-rebuilt; emitter-appended) ---
"""Pipeline reference for scband-shared-codebook3-way-56590489092792 (READ-ONLY COPY).

The authoritative reference and input builder live on the scoring server;
editing this copy changes nothing except your own understanding.
"""

import jax, jax.numpy as jnp
import numpy as np


def layer_norm(x, g, b, eps=1e-5):
    mu = jnp.mean(x, axis=-1, keepdims=True)
    var = jnp.var(x, axis=-1, keepdims=True)
    return (x - mu) / jnp.sqrt(var + eps) * g + b


def setup_inputs(seed: int = 0) -> dict:
    key = jax.random.key(seed)
    ks = jax.random.split(key, 8)
    N, dim_mistral, codebook_dim, n_codes = 8192, 4096, 256, 64
    x = jax.random.normal(ks[0], (N, dim_mistral), dtype=jnp.float32)
    W_enc = jax.random.normal(ks[1], (dim_mistral, codebook_dim), dtype=jnp.float32) * 0.02
    b_enc = jnp.zeros((codebook_dim,), dtype=jnp.float32)
    ln_g = jnp.ones((codebook_dim,), dtype=jnp.float32)
    ln_b = jnp.zeros((codebook_dim,), dtype=jnp.float32)
    embeddings = jax.random.normal(ks[2], (n_codes, codebook_dim), dtype=jnp.float32)
    W_dec = jax.random.normal(ks[3], (codebook_dim, dim_mistral), dtype=jnp.float32) * 0.02
    b_dec = jnp.zeros((dim_mistral,), dtype=jnp.float32)
    return {"x": x, "modality": 0, "W_enc": W_enc, "b_enc": b_enc,
            "ln_g": ln_g, "ln_b": ln_b, "embeddings": embeddings,
            "W_dec": W_dec, "b_dec": b_dec}


def reference(x, modality, W_enc, b_enc, ln_g, ln_b, embeddings, W_dec, b_dec):
    # modality is an int (not 'vjepa' or 'clip') -> mistral branch of the torch module
    z_e = layer_norm(x @ W_enc + b_enc, ln_g, ln_b)
    # squared euclidean distance z_e -> codebook (expanded form, same math)
    d = (jnp.sum(z_e * z_e, axis=-1, keepdims=True)
         - 2.0 * (z_e @ embeddings.T)
         + jnp.sum(embeddings * embeddings, axis=-1)[None, :])
    encoding_indices = jnp.argmin(d, axis=1)
    z_q = jnp.take(embeddings, encoding_indices, axis=0)
    commitment_loss = jnp.mean((z_e - jax.lax.stop_gradient(z_q)) ** 2)
    z_q_st = z_e + jax.lax.stop_gradient(z_q - z_e)
    x_recon = z_q_st @ W_dec + b_dec
    return (x_recon, commitment_loss, encoding_indices, z_e, z_q)

if __name__ == "__main__":
    import jax
    _d = setup_inputs()
    print(jax.jit(kernel)(*tuple(_d.values())))

</pallas_src>

<mosaic_0001>
#map = affine_map<(d0, d1) -> (0)>
module attributes {stable_mosaic.version = 14 : i64} {
  func.func @_zq_compose_body(%arg0: i32, %arg1: i32, %arg2: memref<16384xf32, #tpu.memory_space<hbm>>, %arg3: memref<8192xi32, #tpu.memory_space<hbm>>, %arg4: memref<2097152xf32, #tpu.memory_space<hbm>>, %arg5: memref<16384xf32, #tpu.memory_space<vmem>>, %arg6: memref<256xi32, #tpu.memory_space<vmem>>, %arg7: memref<65536xf32, #tpu.memory_space<vmem>>, %arg8: memref<!tpu.dma_semaphore, #tpu.memory_space<semaphore_mem>>) attributes {dimension_semantics = [#tpu.dimension_semantics<core_parallel>, #tpu.dimension_semantics<subcore_parallel>], iteration_bounds = array<i64: 2, 16>, scalar_prefetch = 0 : i64, scratch_operands = 4 : i64, tpu.core_type = #tpu.core_type<sc_vector_subcore>, window_params = [{transform_indices = #map}, {transform_indices = #map}, {transform_indices = #map}]} {
    %mul3A = arith.constant 2 : i32
    %mul3A_0 = arith.muli %arg1, %mul3A : i32
    %add3A = arith.addi %mul3A_0, %arg0 : i32
    %mul3A_1 = arith.constant 256 : i32
    %mul3A_2 = arith.muli %add3A, %mul3A_1 : i32
    "tpu.region"() ({
      %run_scoped3A = tpu.sem_alloc : memref<!tpu.dma_semaphore, #tpu.memory_space<semaphore_mem>>
      tpu.enqueue_dma source(%arg2 : memref<16384xf32, #tpu.memory_space<hbm>>) target(%arg5 : memref<16384xf32, #tpu.memory_space<vmem>>) target_semaphore(%run_scoped3A : memref<!tpu.dma_semaphore, #tpu.memory_space<semaphore_mem>>)
      tpu.wait_dma2 semaphore(%run_scoped3A : memref<!tpu.dma_semaphore, #tpu.memory_space<semaphore_mem>>) src(%arg2 : memref<16384xf32, #tpu.memory_space<hbm>>) dst(%arg5 : memref<16384xf32, #tpu.memory_space<vmem>>)
      tpu.yield
    }) : () -> ()
    "tpu.region"() ({
      %run_scoped3A = tpu.sem_alloc : memref<!tpu.dma_semaphore, #tpu.memory_space<semaphore_mem>>
      %dma_start3A_213 = tpu.memref_slice %arg3[%mul3A_2] : memref<8192xi32, #tpu.memory_space<hbm>> -> memref<256xi32, #tpu.memory_space<hbm>>
      %dma_start3A_214 = tpu.memref_slice %arg3[%mul3A_2] : memref<8192xi32, #tpu.memory_space<hbm>> -> memref<256xi32, #tpu.memory_space<hbm>>
      tpu.enqueue_dma source(%dma_start3A_214 : memref<256xi32, #tpu.memory_space<hbm>>) target(%arg6 : memref<256xi32, #tpu.memory_space<vmem>>) target_semaphore(%run_scoped3A : memref<!tpu.dma_semaphore, #tpu.memory_space<semaphore_mem>>)
      %dma_wait3A_215 = tpu.memref_slice %arg3[%mul3A_2] : memref<8192xi32, #tpu.memory_space<hbm>> -> memref<256xi32, #tpu.memory_space<hbm>>
      %dma_wait3A_216 = tpu.memref_slice %arg3[%mul3A_2] : memref<8192xi32, #tpu.memory_space<hbm>> -> memref<256xi32, #tpu.memory_space<hbm>>
      tpu.wait_dma2 semaphore(%run_scoped3A : memref<!tpu.dma_semaphore, #tpu.memory_space<semaphore_mem>>) src(%dma_wait3A_216 : memref<256xi32, #tpu.memory_space<hbm>>) dst(%arg6 : memref<256xi32, #tpu.memory_space<vmem>>)
      tpu.yield
    }) : () -> ()
    %iota3A = tpu.iota {dimensions = array<i32: 0>} : vector<16xi32>
    %get3A = arith.constant 0 : index
    %get3A_3 = tpu.vector_load %arg6[%get3A] {strides = array<i32>} : memref<256xi32, #tpu.memory_space<vmem>>, vector<16xi32>,
    %mul3A_4 = arith.constant 256 : i32
    %mul3A_5 = vector.broadcast %mul3A_4 : i32 to vector<16xi32>
    %mul3A_6 = arith.muli %get3A_3, %mul3A_5 : vector<16xi32>
    %get3A_7 = arith.constant 16 : index
    %get3A_8 = tpu.vector_load %arg6[%get3A_7] {strides = array<i32>} : memref<256xi32, #tpu.memory_space<vmem>>, vector<16xi32>,
    %mul3A_9 = arith.constant 256 : i32
    %mul3A_10 = vector.broadcast %mul3A_9 : i32 to vector<16xi32>
    %mul3A_11 = arith.muli %get3A_8, %mul3A_10 : vector<16xi32>
    %get3A_12 = arith.constant 32 : index
    %get3A_13 = tpu.vector_load %arg6[%get3A_12] {strides = array<i32>} : memref<256xi32, #tpu.memory_space<vmem>>, vector<16xi32>,
    %mul3A_14 = arith.constant 256 : i32
    %mul3A_15 = vector.broadcast %mul3A_14 : i32 to vector<16xi32>
    %mul3A_16 = arith.muli %get3A_13, %mul3A_15 : vector<16xi32>
    %get3A_17 = arith.constant 48 : index
    %get3A_18 = tpu.vector_load %arg6[%get3A_17] {strides = array<i32>} : memref<256xi32, #tpu.memory_space<vmem>>, vector<16xi32>,
    %mul3A_19 = arith.constant 256 : i32
    %mul3A_20 = vector.broadcast %mul3A_19 : i32 to vector<16xi32>
    %mul3A_21 = arith.muli %get3A_18, %mul3A_20 : vector<16xi32>
    %get3A_22 = arith.constant 64 : index
    %get3A_23 = tpu.vector_load %arg6[%get3A_22] {strides = array<i32>} : memref<256xi32, #tpu.memory_space<vmem>>, vector<16xi32>,
    %mul3A_24 = arith.constant 256 : i32
    %mul3A_25 = vector.broadcast %mul3A_24 : i32 to vector<16xi32>
    %mul3A_26 = arith.muli %get3A_23, %mul3A_25 : vector<16xi32>
    %get3A_27 = arith.constant 80 : index
    %get3A_28 = tpu.vector_load %arg6[%get3A_27] {strides = array<i32>} : memref<256xi32, #tpu.memory_space<vmem>>, vector<16xi32>,
    %mul3A_29 = arith.constant 256 : i32
    %mul3A_30 = vector.broadcast %mul3A_29 : i32 to vector<16xi32>
    %mul3A_31 = arith.muli %get3A_28, %mul3A_30 : vector<16xi32>
    %get3A_32 = arith.constant 96 : index
    %get3A_33 = tpu.vector_load %arg6[%get3A_32] {strides = array<i32>} : memref<256xi32, #tpu.memory_space<vmem>>, vector<16xi32>,
    %mul3A_34 = arith.constant 256 : i32
    %mul3A_35 = vector.broadcast %mul3A_34 : i32 to vector<16xi32>
    %mul3A_36 = arith.muli %get3A_33, %mul3A_35 : vector<16xi32>
    %get3A_37 = arith.constant 112 : index
    %get3A_38 = tpu.vector_load %arg6[%get3A_37] {strides = array<i32>} : memref<256xi32, #tpu.memory_space<vmem>>, vector<16xi32>,
    %mul3A_39 = arith.constant 256 : i32
    %mul3A_40 = vector.broadcast %mul3A_39 : i32 to vector<16xi32>
    %mul3A_41 = arith.muli %get3A_38, %mul3A_40 : vector<16xi32>
    %add3A_42 = arith.constant 0 : i32
    %add3A_43 = vector.broadcast %add3A_42 : i32 to vector<16xi32>
    %add3A_44 = arith.addi %iota3A, %add3A_43 : vector<16xi32>
    %mul3A_45 = arith.constant 256 : i32
    %mul3A_46 = vector.broadcast %mul3A_45 : i32 to vector<16xi32>
    %mul3A_47 = arith.muli %add3A_44, %mul3A_46 : vector<16xi32>
    %add3A_48 = arith.constant 16 : i32
    %add3A_49 = vector.broadcast %add3A_48 : i32 to vector<16xi32>
    %add3A_50 = arith.addi %iota3A, %add3A_49 : vector<16xi32>
    %mul3A_51 = arith.constant 256 : i32
    %mul3A_52 = vector.broadcast %mul3A_51 : i32 to vector<16xi32>
    %mul3A_53 = arith.muli %add3A_50, %mul3A_52 : vector<16xi32>
    %add3A_54 = arith.constant 32 : i32
    %add3A_55 = vector.broadcast %add3A_54 : i32 to vector<16xi32>
    %add3A_56 = arith.addi %iota3A, %add3A_55 : vector<16xi32>
    %mul3A_57 = arith.constant 256 : i32
    %mul3A_58 = vector.broadcast %mul3A_57 : i32 to vector<16xi32>
    %mul3A_59 = arith.muli %add3A_56, %mul3A_58 : vector<16xi32>
    %add3A_60 = arith.constant 48 : i32
    %add3A_61 = vector.broadcast %add3A_60 : i32 to vector<16xi32>
    %add3A_62 = arith.addi %iota3A, %add3A_61 : vector<16xi32>
    %mul3A_63 = arith.constant 256 : i32
    %mul3A_64 = vector.broadcast %mul3A_63 : i32 to vector<16xi32>
    %mul3A_65 = arith.muli %add3A_62, %mul3A_64 : vector<16xi32>
    %add3A_66 = arith.constant 64 : i32
    %add3A_67 = vector.broadcast %add3A_66 : i32 to vector<16xi32>
    %add3A_68 = arith.addi %iota3A, %add3A_67 : vector<16xi32>
    %mul3A_69 = arith.constant 256 : i32
    %mul3A_70 = vector.broadcast %mul3A_69 : i32 to vector<16xi32>
    %mul3A_71 = arith.muli %add3A_68, %mul3A_70 : vector<16xi32>
    %add3A_72 = arith.constant 80 : i32
    %add3A_73 = vector.broadcast %add3A_72 : i32 to vector<16xi32>
    %add3A_74 = arith.addi %iota3A, %add3A_73 : vector<16xi32>
    %mul3A_75 = arith.constant 256 : i32
    %mul3A_76 = vector.broadcast %mul3A_75 : i32 to vector<16xi32>
    %mul3A_77 = arith.muli %add3A_74, %mul3A_76 : vector<16xi32>
    %add3A_78 = arith.constant 96 : i32
    %add3A_79 = vector.broadcast %add3A_78 : i32 to vector<16xi32>
    %add3A_80 = arith.addi %iota3A, %add3A_79 : vector<16xi32>
    %mul3A_81 = arith.constant 256 : i32
    %mul3A_82 = vector.broadcast %mul3A_81 : i32 to vector<16xi32>
    %mul3A_83 = arith.muli %add3A_80, %mul3A_82 : vector<16xi32>
    %add3A_84 = arith.constant 112 : i32
    %add3A_85 = vector.broadcast %add3A_84 : i32 to vector<16xi32>
    %add3A_86 = arith.addi %iota3A, %add3A_85 : vector<16xi32>
    %mul3A_87 = arith.constant 256 : i32
    %mul3A_88 = vector.broadcast %mul3A_87 : i32 to vector<16xi32>
    %mul3A_89 = arith.muli %add3A_86, %mul3A_88 : vector<16xi32>
    %parallel_loop3A = arith.constant 0 : i32
    %parallel_loop3A_90 = arith.constant 256 : i32
    %parallel_loop3A_91 = arith.constant 1 : i32
    scf.for %parallel_loop3A_213 = %parallel_loop3A to %parallel_loop3A_90 step %parallel_loop3A_91  : i32 {
      %parallel_loop3A_214 = vector.broadcast %parallel_loop3A_213 : i32 to vector<16xi32>
      %parallel_loop3A_215 = arith.addi %mul3A_6, %parallel_loop3A_214 : vector<16xi32>
      %parallel_loop3A_216 = tpu.vector_load_idx %arg5[%parallel_loop3A_215] : memref<16384xf32, #tpu.memory_space<vmem>>[vector<16xi32>], vector<16xf32>,
      %parallel_loop3A_217 = vector.broadcast %parallel_loop3A_213 : i32 to vector<16xi32>
      %parallel_loop3A_218 = arith.addi %mul3A_47, %parallel_loop3A_217 : vector<16xi32>
      tpu.vector_store_idx %arg7[%parallel_loop3A_218], %parallel_loop3A_216 : memref<65536xf32, #tpu.memory_space<vmem>>[vector<16xi32>], vector<16xf32>,
      %parallel_loop3A_219 = vector.broadcast %parallel_loop3A_213 : i32 to vector<16xi32>
      %parallel_loop3A_220 = arith.addi %mul3A_11, %parallel_loop3A_219 : vector<16xi32>
      %parallel_loop3A_221 = tpu.vector_load_idx %arg5[%parallel_loop3A_220] : memref<16384xf32, #tpu.memory_space<vmem>>[vector<16xi32>], vector<16xf32>,
      %parallel_loop3A_222 = vector.broadcast %parallel_loop3A_213 : i32 to vector<16xi32>
      %parallel_loop3A_223 = arith.addi %mul3A_53, %parallel_loop3A_222 : vector<16xi32>
      tpu.vector_store_idx %arg7[%parallel_loop3A_223], %parallel_loop3A_221 : memref<65536xf32, #tpu.memory_space<vmem>>[vector<16xi32>], vector<16xf32>,
      %parallel_loop3A_224 = vector.broadcast %parallel_loop3A_213 : i32 to vector<16xi32>
      %parallel_loop3A_225 = arith.addi %mul3A_16, %parallel_loop3A_224 : vector<16xi32>
      %parallel_loop3A_226 = tpu.vector_load_idx %arg5[%parallel_loop3A_225] : memref<16384xf32, #tpu.memory_space<vmem>>[vector<16xi32>], vector<16xf32>,
      %parallel_loop3A_227 = vector.broadcast %parallel_loop3A_213 : i32 to vector<16xi32>
      %parallel_loop3A_228 = arith.addi %mul3A_59, %parallel_loop3A_227 : vector<16xi32>
      tpu.vector_store_idx %arg7[%parallel_loop3A_228], %parallel_loop3A_226 : memref<65536xf32, #tpu.memory_space<vmem>>[vector<16xi32>], vector<16xf32>,
      %parallel_loop3A_229 = vector.broadcast %parallel_loop3A_213 : i32 to vector<16xi32>
      %parallel_loop3A_230 = arith.addi %mul3A_21, %parallel_loop3A_229 : vector<16xi32>
      %parallel_loop3A_231 = tpu.vector_load_idx %arg5[%parallel_loop3A_230] : memref<16384xf32, #tpu.memory_space<vmem>>[vector<16xi32>], vector<16xf32>,
      %parallel_loop3A_232 = vector.broadcast %parallel_loop3A_213 : i32 to vector<16xi32>
      %parallel_loop3A_233 = arith.addi %mul3A_65, %parallel_loop3A_232 : vector<16xi32>
      tpu.vector_store_idx %arg7[%parallel_loop3A_233], %parallel_loop3A_231 : memref<65536xf32, #tpu.memory_space<vmem>>[vector<16xi32>], vector<16xf32>,
      %parallel_loop3A_234 = vector.broadcast %parallel_loop3A_213 : i32 to vector<16xi32>
      %parallel_loop3A_235 = arith.addi %mul3A_26, %parallel_loop3A_234 : vector<16xi32>
      %parallel_loop3A_236 = tpu.vector_load_idx %arg5[%parallel_loop3A_235] : memref<16384xf32, #tpu.memory_space<vmem>>[vector<16xi32>], vector<16xf32>,
      %parallel_loop3A_237 = vector.broadcast %parallel_loop3A_213 : i32 to vector<16xi32>
      %parallel_loop3A_238 = arith.addi %mul3A_71, %parallel_loop3A_237 : vector<16xi32>
      tpu.vector_store_idx %arg7[%parallel_loop3A_238], %parallel_loop3A_236 : memref<65536xf32, #tpu.memory_space<vmem>>[vector<16xi32>], vector<16xf32>,
      %parallel_loop3A_239 = vector.broadcast %parallel_loop3A_213 : i32 to vector<16xi32>
      %parallel_loop3A_240 = arith.addi %mul3A_31, %parallel_loop3A_239 : vector<16xi32>
      %parallel_loop3A_241 = tpu.vector_load_idx %arg5[%parallel_loop3A_240] : memref<16384xf32, #tpu.memory_space<vmem>>[vector<16xi32>], vector<16xf32>,
      %parallel_loop3A_242 = vector.broadcast %parallel_loop3A_213 : i32 to vector<16xi32>
      %parallel_loop3A_243 = arith.addi %mul3A_77, %parallel_loop3A_242 : vector<16xi32>
      tpu.vector_store_idx %arg7[%parallel_loop3A_243], %parallel_loop3A_241 : memref<65536xf32, #tpu.memory_space<vmem>>[vector<16xi32>], vector<16xf32>,
      %parallel_loop3A_244 = vector.broadcast %parallel_loop3A_213 : i32 to vector<16xi32>
      %parallel_loop3A_245 = arith.addi %mul3A_36, %parallel_loop3A_244 : vector<16xi32>
      %parallel_loop3A_246 = tpu.vector_load_idx %arg5[%parallel_loop3A_245] : memref<16384xf32, #tpu.memory_space<vmem>>[vector<16xi32>], vector<16xf32>,
      %parallel_loop3A_247 = vector.broadcast %parallel_loop3A_213 : i32 to vector<16xi32>
      %parallel_loop3A_248 = arith.addi %mul3A_83, %parallel_loop3A_247 : vector<16xi32>
      tpu.vector_store_idx %arg7[%parallel_loop3A_248], %parallel_loop3A_246 : memref<65536xf32, #tpu.memory_space<vmem>>[vector<16xi32>], vector<16xf32>,
      %parallel_loop3A_249 = vector.broadcast %parallel_loop3A_213 : i32 to vector<16xi32>
      %parallel_loop3A_250 = arith.addi %mul3A_41, %parallel_loop3A_249 : vector<16xi32>
      %parallel_loop3A_251 = tpu.vector_load_idx %arg5[%parallel_loop3A_250] : memref<16384xf32, #tpu.memory_space<vmem>>[vector<16xi32>], vector<16xf32>,
      %parallel_loop3A_252 = vector.broadcast %parallel_loop3A_213 : i32 to vector<16xi32>
      %parallel_loop3A_253 = arith.addi %mul3A_89, %parallel_loop3A_252 : vector<16xi32>
      tpu.vector_store_idx %arg7[%parallel_loop3A_253], %parallel_loop3A_251 : memref<65536xf32, #tpu.memory_space<vmem>>[vector<16xi32>], vector<16xf32>,
    } {sc.loop_unroll_factor = 4 : i64, sc.parallel_access}
    %mul3A_92 = arith.constant 256 : i32
    %mul3A_93 = arith.muli %mul3A_2, %mul3A_92 : i32
    %add3A_94 = arith.constant 0 : i32
    %add3A_95 = arith.addi %mul3A_93, %add3A_94 : i32
    %dma_start3A = arith.constant 0 : i32
    %dma_start3A_96 = tpu.memref_slice %arg7[%dma_start3A] : memref<65536xf32, #tpu.memory_space<vmem>> -> memref<32768xf32, #tpu.memory_space<vmem>>
    %dma_start3A_97 = tpu.memref_slice %arg4[%add3A_95] : memref<2097152xf32, #tpu.memory_space<hbm>> -> memref<32768xf32, #tpu.memory_space<hbm>>
    %dma_start3A_98 = tpu.memref_slice %arg4[%add3A_95] : memref<2097152xf32, #tpu.memory_space<hbm>> -> memref<32768xf32, #tpu.memory_space<hbm>>
    %dma_start3A_99 = arith.constant 0 : i32
    %dma_start3A_100 = tpu.memref_slice %arg7[%dma_start3A_99] : memref<65536xf32, #tpu.memory_space<vmem>> -> memref<32768xf32, #tpu.memory_space<vmem>>
    tpu.enqueue_dma source(%dma_start3A_100 : memref<32768xf32, #tpu.memory_space<vmem>>) target(%dma_start3A_98 : memref<32768xf32, #tpu.memory_space<hbm>>) target_semaphore(%arg8 : memref<!tpu.dma_semaphore, #tpu.memory_space<semaphore_mem>>)
    %get3A_101 = arith.constant 128 : index
    %get3A_102 = tpu.vector_load %arg6[%get3A_101] {strides = array<i32>} : memref<256xi32, #tpu.memory_space<vmem>>, vector<16xi32>,
    %mul3A_103 = arith.constant 256 : i32
    %mul3A_104 = vector.broadcast %mul3A_103 : i32 to vector<16xi32>
    %mul3A_105 = arith.muli %get3A_102, %mul3A_104 : vector<16xi32>
    %get3A_106 = arith.constant 144 : index
    %get3A_107 = tpu.vector_load %arg6[%get3A_106] {strides = array<i32>} : memref<256xi32, #tpu.memory_space<vmem>>, vector<16xi32>,
    %mul3A_108 = arith.constant 256 : i32
    %mul3A_109 = vector.broadcast %mul3A_108 : i32 to vector<16xi32>
    %mul3A_110 = arith.muli %get3A_107, %mul3A_109 : vector<16xi32>
    %get3A_111 = arith.constant 160 : index
    %get3A_112 = tpu.vector_load %arg6[%get3A_111] {strides = array<i32>} : memref<256xi32, #tpu.memory_space<vmem>>, vector<16xi32>,
    %mul3A_113 = arith.constant 256 : i32
    %mul3A_114 = vector.broadcast %mul3A_113 : i32 to vector<16xi32>
    %mul3A_115 = arith.muli %get3A_112, %mul3A_114 : vector<16xi32>
    %get3A_116 = arith.constant 176 : index
    %get3A_117 = tpu.vector_load %arg6[%get3A_116] {strides = array<i32>} : memref<256xi32, #tpu.memory_space<vmem>>, vector<16xi32>,
    %mul3A_118 = arith.constant 256 : i32
    %mul3A_119 = vector.broadcast %mul3A_118 : i32 to vector<16xi32>
    %mul3A_120 = arith.muli %get3A_117, %mul3A_119 : vector<16xi32>
    %get3A_121 = arith.constant 192 : index
    %get3A_122 = tpu.vector_load %arg6[%get3A_121] {strides = array<i32>} : memref<256xi32, #tpu.memory_space<vmem>>, vector<16xi32>,
    %mul3A_123 = arith.constant 256 : i32
    %mul3A_124 = vector.broadcast %mul3A_123 : i32 to vector<16xi32>
    %mul3A_125 = arith.muli %get3A_122, %mul3A_124 : vector<16xi32>
    %get3A_126 = arith.constant 208 : index
    %get3A_127 = tpu.vector_load %arg6[%get3A_126] {strides = array<i32>} : memref<256xi32, #tpu.memory_space<vmem>>, vector<16xi32>,
    %mul3A_128 = arith.constant 256 : i32
    %mul3A_129 = vector.broadcast %mul3A_128 : i32 to vector<16xi32>
    %mul3A_130 = arith.muli %get3A_127, %mul3A_129 : vector<16xi32>
    %get3A_131 = arith.constant 224 : index
    %get3A_132 = tpu.vector_load %arg6[%get3A_131] {strides = array<i32>} : memref<256xi32, #tpu.memory_space<vmem>>, vector<16xi32>,
    %mul3A_133 = arith.constant 256 : i32
    %mul3A_134 = vector.broadcast %mul3A_133 : i32 to vector<16xi32>
    %mul3A_135 = arith.muli %get3A_132, %mul3A_134 : vector<16xi32>
    %get3A_136 = arith.constant 240 : index
    %get3A_137 = tpu.vector_load %arg6[%get3A_136] {strides = array<i32>} : memref<256xi32, #tpu.memory_space<vmem>>, vector<16xi32>,
    %mul3A_138 = arith.constant 256 : i32
    %mul3A_139 = vector.broadcast %mul3A_138 : i32 to vector<16xi32>
    %mul3A_140 = arith.muli %get3A_137, %mul3A_139 : vector<16xi32>
    %add3A_141 = arith.constant 128 : i32
    %add3A_142 = vector.broadcast %add3A_141 : i32 to vector<16xi32>
    %add3A_143 = arith.addi %iota3A, %add3A_142 : vector<16xi32>
    %mul3A_144 = arith.constant 256 : i32
    %mul3A_145 = vector.broadcast %mul3A_144 : i32 to vector<16xi32>
    %mul3A_146 = arith.muli %add3A_143, %mul3A_145 : vector<16xi32>
    %add3A_147 = arith.constant 144 : i32
    %add3A_148 = vector.broadcast %add3A_147 : i32 to vector<16xi32>
    %add3A_149 = arith.addi %iota3A, %add3A_148 : vector<16xi32>
    %mul3A_150 = arith.constant 256 : i32
    %mul3A_151 = vector.broadcast %mul3A_150 : i32 to vector<16xi32>
    %mul3A_152 = arith.muli %add3A_149, %mul3A_151 : vector<16xi32>
    %add3A_153 = arith.constant 160 : i32
    %add3A_154 = vector.broadcast %add3A_153 : i32 to vector<16xi32>
    %add3A_155 = arith.addi %iota3A, %add3A_154 : vector<16xi32>
    %mul3A_156 = arith.constant 256 : i32
    %mul3A_157 = vector.broadcast %mul3A_156 : i32 to vector<16xi32>
    %mul3A_158 = arith.muli %add3A_155, %mul3A_157 : vector<16xi32>
    %add3A_159 = arith.constant 176 : i32
    %add3A_160 = vector.broadcast %add3A_159 : i32 to vector<16xi32>
    %add3A_161 = arith.addi %iota3A, %add3A_160 : vector<16xi32>
    %mul3A_162 = arith.constant 256 : i32
    %mul3A_163 = vector.broadcast %mul3A_162 : i32 to vector<16xi32>
    %mul3A_164 = arith.muli %add3A_161, %mul3A_163 : vector<16xi32>
    %add3A_165 = arith.constant 192 : i32
    %add3A_166 = vector.broadcast %add3A_165 : i32 to vector<16xi32>
    %add3A_167 = arith.addi %iota3A, %add3A_166 : vector<16xi32>
    %mul3A_168 = arith.constant 256 : i32
    %mul3A_169 = vector.broadcast %mul3A_168 : i32 to vector<16xi32>
    %mul3A_170 = arith.muli %add3A_167, %mul3A_169 : vector<16xi32>
    %add3A_171 = arith.constant 208 : i32
    %add3A_172 = vector.broadcast %add3A_171 : i32 to vector<16xi32>
    %add3A_173 = arith.addi %iota3A, %add3A_172 : vector<16xi32>
    %mul3A_174 = arith.constant 256 : i32
    %mul3A_175 = vector.broadcast %mul3A_174 : i32 to vector<16xi32>
    %mul3A_176 = arith.muli %add3A_173, %mul3A_175 : vector<16xi32>
    %add3A_177 = arith.constant 224 : i32
    %add3A_178 = vector.broadcast %add3A_177 : i32 to vector<16xi32>
    %add3A_179 = arith.addi %iota3A, %add3A_178 : vector<16xi32>
    %mul3A_180 = arith.constant 256 : i32
    %mul3A_181 = vector.broadcast %mul3A_180 : i32 to vector<16xi32>
    %mul3A_182 = arith.muli %add3A_179, %mul3A_181 : vector<16xi32>
    %add3A_183 = arith.constant 240 : i32
    %add3A_184 = vector.broadcast %add3A_183 : i32 to vector<16xi32>
    %add3A_185 = arith.addi %iota3A, %add3A_184 : vector<16xi32>
    %mul3A_186 = arith.constant 256 : i32
    %mul3A_187 = vector.broadcast %mul3A_186 : i32 to vector<16xi32>
    %mul3A_188 = arith.muli %add3A_185, %mul3A_187 : vector<16xi32>
    %parallel_loop3A_189 = arith.constant 0 : i32
    %parallel_loop3A_190 = arith.constant 256 : i32
    %parallel_loop3A_191 = arith.constant 1 : i32
    scf.for %parallel_loop3A_213 = %parallel_loop3A_189 to %parallel_loop3A_190 step %parallel_loop3A_191  : i32 {
      %parallel_loop3A_214 = vector.broadcast %parallel_loop3A_213 : i32 to vector<16xi32>
      %parallel_loop3A_215 = arith.addi %mul3A_105, %parallel_loop3A_214 : vector<16xi32>
      %parallel_loop3A_216 = tpu.vector_load_idx %arg5[%parallel_loop3A_215] : memref<16384xf32, #tpu.memory_space<vmem>>[vector<16xi32>], vector<16xf32>,
      %parallel_loop3A_217 = vector.broadcast %parallel_loop3A_213 : i32 to vector<16xi32>
      %parallel_loop3A_218 = arith.addi %mul3A_146, %parallel_loop3A_217 : vector<16xi32>
      tpu.vector_store_idx %arg7[%parallel_loop3A_218], %parallel_loop3A_216 : memref<65536xf32, #tpu.memory_space<vmem>>[vector<16xi32>], vector<16xf32>,
      %parallel_loop3A_219 = vector.broadcast %parallel_loop3A_213 : i32 to vector<16xi32>
      %parallel_loop3A_220 = arith.addi %mul3A_110, %parallel_loop3A_219 : vector<16xi32>
      %parallel_loop3A_221 = tpu.vector_load_idx %arg5[%parallel_loop3A_220] : memref<16384xf32, #tpu.memory_space<vmem>>[vector<16xi32>], vector<16xf32>,
      %parallel_loop3A_222 = vector.broadcast %parallel_loop3A_213 : i32 to vector<16xi32>
      %parallel_loop3A_223 = arith.addi %mul3A_152, %parallel_loop3A_222 : vector<16xi32>
      tpu.vector_store_idx %arg7[%parallel_loop3A_223], %parallel_loop3A_221 : memref<65536xf32, #tpu.memory_space<vmem>>[vector<16xi32>], vector<16xf32>,
      %parallel_loop3A_224 = vector.broadcast %parallel_loop3A_213 : i32 to vector<16xi32>
      %parallel_loop3A_225 = arith.addi %mul3A_115, %parallel_loop3A_224 : vector<16xi32>
      %parallel_loop3A_226 = tpu.vector_load_idx %arg5[%parallel_loop3A_225] : memref<16384xf32, #tpu.memory_space<vmem>>[vector<16xi32>], vector<16xf32>,
      %parallel_loop3A_227 = vector.broadcast %parallel_loop3A_213 : i32 to vector<16xi32>
      %parallel_loop3A_228 = arith.addi %mul3A_158, %parallel_loop3A_227 : vector<16xi32>
      tpu.vector_store_idx %arg7[%parallel_loop3A_228], %parallel_loop3A_226 : memref<65536xf32, #tpu.memory_space<vmem>>[vector<16xi32>], vector<16xf32>,
      %parallel_loop3A_229 = vector.broadcast %parallel_loop3A_213 : i32 to vector<16xi32>
      %parallel_loop3A_230 = arith.addi %mul3A_120, %parallel_loop3A_229 : vector<16xi32>
      %parallel_loop3A_231 = tpu.vector_load_idx %arg5[%parallel_loop3A_230] : memref<16384xf32, #tpu.memory_space<vmem>>[vector<16xi32>], vector<16xf32>,
      %parallel_loop3A_232 = vector.broadcast %parallel_loop3A_213 : i32 to vector<16xi32>
      %parallel_loop3A_233 = arith.addi %mul3A_164, %parallel_loop3A_232 : vector<16xi32>
      tpu.vector_store_idx %arg7[%parallel_loop3A_233], %parallel_loop3A_231 : memref<65536xf32, #tpu.memory_space<vmem>>[vector<16xi32>], vector<16xf32>,
      %parallel_loop3A_234 = vector.broadcast %parallel_loop3A_213 : i32 to vector<16xi32>
      %parallel_loop3A_235 = arith.addi %mul3A_125, %parallel_loop3A_234 : vector<16xi32>
      %parallel_loop3A_236 = tpu.vector_load_idx %arg5[%parallel_loop3A_235] : memref<16384xf32, #tpu.memory_space<vmem>>[vector<16xi32>], vector<16xf32>,
      %parallel_loop3A_237 = vector.broadcast %parallel_loop3A_213 : i32 to vector<16xi32>
      %parallel_loop3A_238 = arith.addi %mul3A_170, %parallel_loop3A_237 : vector<16xi32>
      tpu.vector_store_idx %arg7[%parallel_loop3A_238], %parallel_loop3A_236 : memref<65536xf32, #tpu.memory_space<vmem>>[vector<16xi32>], vector<16xf32>,
      %parallel_loop3A_239 = vector.broadcast %parallel_loop3A_213 : i32 to vector<16xi32>
      %parallel_loop3A_240 = arith.addi %mul3A_130, %parallel_loop3A_239 : vector<16xi32>
      %parallel_loop3A_241 = tpu.vector_load_idx %arg5[%parallel_loop3A_240] : memref<16384xf32, #tpu.memory_space<vmem>>[vector<16xi32>], vector<16xf32>,
      %parallel_loop3A_242 = vector.broadcast %parallel_loop3A_213 : i32 to vector<16xi32>
      %parallel_loop3A_243 = arith.addi %mul3A_176, %parallel_loop3A_242 : vector<16xi32>
      tpu.vector_store_idx %arg7[%parallel_loop3A_243], %parallel_loop3A_241 : memref<65536xf32, #tpu.memory_space<vmem>>[vector<16xi32>], vector<16xf32>,
      %parallel_loop3A_244 = vector.broadcast %parallel_loop3A_213 : i32 to vector<16xi32>
      %parallel_loop3A_245 = arith.addi %mul3A_135, %parallel_loop3A_244 : vector<16xi32>
      %parallel_loop3A_246 = tpu.vector_load_idx %arg5[%parallel_loop3A_245] : memref<16384xf32, #tpu.memory_space<vmem>>[vector<16xi32>], vector<16xf32>,
      %parallel_loop3A_247 = vector.broadcast %parallel_loop3A_213 : i32 to vector<16xi32>
      %parallel_loop3A_248 = arith.addi %mul3A_182, %parallel_loop3A_247 : vector<16xi32>
      tpu.vector_store_idx %arg7[%parallel_loop3A_248], %parallel_loop3A_246 : memref<65536xf32, #tpu.memory_space<vmem>>[vector<16xi32>], vector<16xf32>,
      %parallel_loop3A_249 = vector.broadcast %parallel_loop3A_213 : i32 to vector<16xi32>
      %parallel_loop3A_250 = arith.addi %mul3A_140, %parallel_loop3A_249 : vector<16xi32>
      %parallel_loop3A_251 = tpu.vector_load_idx %arg5[%parallel_loop3A_250] : memref<16384xf32, #tpu.memory_space<vmem>>[vector<16xi32>], vector<16xf32>,
      %parallel_loop3A_252 = vector.broadcast %parallel_loop3A_213 : i32 to vector<16xi32>
      %parallel_loop3A_253 = arith.addi %mul3A_188, %parallel_loop3A_252 : vector<16xi32>
      tpu.vector_store_idx %arg7[%parallel_loop3A_253], %parallel_loop3A_251 : memref<65536xf32, #tpu.memory_space<vmem>>[vector<16xi32>], vector<16xf32>,
    } {sc.loop_unroll_factor = 4 : i64, sc.parallel_access}
    %mul3A_192 = arith.constant 256 : i32
    %mul3A_193 = arith.muli %mul3A_2, %mul3A_192 : i32
    %add3A_194 = arith.constant 32768 : i32
    %add3A_195 = arith.addi %mul3A_193, %add3A_194 : i32
    %dma_start3A_196 = arith.constant 32768 : i32
    %dma_start3A_197 = tpu.memref_slice %arg7[%dma_start3A_196] : memref<65536xf32, #tpu.memory_space<vmem>> -> memref<32768xf32, #tpu.memory_space<vmem>>
    %dma_start3A_198 = tpu.memref_slice %arg4[%add3A_195] : memref<2097152xf32, #tpu.memory_space<hbm>> -> memref<32768xf32, #tpu.memory_space<hbm>>
    %dma_start3A_199 = tpu.memref_slice %arg4[%add3A_195] : memref<2097152xf32, #tpu.memory_space<hbm>> -> memref<32768xf32, #tpu.memory_space<hbm>>
    %dma_start3A_200 = arith.constant 32768 : i32
    %dma_start3A_201 = tpu.memref_slice %arg7[%dma_start3A_200] : memref<65536xf32, #tpu.memory_space<vmem>> -> memref<32768xf32, #tpu.memory_space<vmem>>
    tpu.enqueue_dma source(%dma_start3A_201 : memref<32768xf32, #tpu.memory_space<vmem>>) target(%dma_start3A_199 : memref<32768xf32, #tpu.memory_space<hbm>>) target_semaphore(%arg8 : memref<!tpu.dma_semaphore, #tpu.memory_space<semaphore_mem>>)
    %dma_wait3A = arith.constant 0 : i32
    %dma_wait3A_202 = tpu.memref_slice %arg7[%dma_wait3A] : memref<65536xf32, #tpu.memory_space<vmem>> -> memref<32768xf32, #tpu.memory_space<vmem>>
    %dma_wait3A_203 = tpu.memref_slice %arg4[%add3A_95] : memref<2097152xf32, #tpu.memory_space<hbm>> -> memref<32768xf32, #tpu.memory_space<hbm>>
    %dma_wait3A_204 = tpu.memref_slice %arg4[%add3A_95] : memref<2097152xf32, #tpu.memory_space<hbm>> -> memref<32768xf32, #tpu.memory_space<hbm>>
    %dma_wait3A_205 = arith.constant 0 : i32
    %dma_wait3A_206 = tpu.memref_slice %arg7[%dma_wait3A_205] : memref<65536xf32, #tpu.memory_space<vmem>> -> memref<32768xf32, #tpu.memory_space<vmem>>
    tpu.wait_dma2 semaphore(%arg8 : memref<!tpu.dma_semaphore, #tpu.memory_space<semaphore_mem>>) src(%dma_wait3A_206 : memref<32768xf32, #tpu.memory_space<vmem>>) dst(%dma_wait3A_204 : memref<32768xf32, #tpu.memory_space<hbm>>)
    %dma_wait3A_207 = arith.constant 32768 : i32
    %dma_wait3A_208 = tpu.memref_slice %arg7[%dma_wait3A_207] : memref<65536xf32, #tpu.memory_space<vmem>> -> memref<32768xf32, #tpu.memory_space<vmem>>
    %dma_wait3A_209 = tpu.memref_slice %arg4[%add3A_195] : memref<2097152xf32, #tpu.memory_space<hbm>> -> memref<32768xf32, #tpu.memory_space<hbm>>
    %dma_wait3A_210 = tpu.memref_slice %arg4[%add3A_195] : memref<2097152xf32, #tpu.memory_space<hbm>> -> memref<32768xf32, #tpu.memory_space<hbm>>
    %dma_wait3A_211 = arith.constant 32768 : i32
    %dma_wait3A_212 = tpu.memref_slice %arg7[%dma_wait3A_211] : memref<65536xf32, #tpu.memory_space<vmem>> -> memref<32768xf32, #tpu.memory_space<vmem>>
    tpu.wait_dma2 semaphore(%arg8 : memref<!tpu.dma_semaphore, #tpu.memory_space<semaphore_mem>>) src(%dma_wait3A_212 : memref<32768xf32, #tpu.memory_space<vmem>>) dst(%dma_wait3A_210 : memref<32768xf32, #tpu.memory_space<hbm>>)
    return
  }
}

module attributes {stable_mosaic.version = 14 : i64} {
  func.func @_encode_block(%arg0: i32, %arg1: memref<512x4096xf32, #tpu.memory_space<vmem>>, %arg2: memref<4096x256xf32, #tpu.memory_space<vmem>>, %arg3: memref<1x256xf32, #tpu.memory_space<vmem>>, %arg4: memref<1x256xf32, #tpu.memory_space<vmem>>, %arg5: memref<1x256xf32, #tpu.memory_space<vmem>>, %arg6: memref<256x64xf32, #tpu.memory_space<vmem>>, %arg7: memref<1x64xf32, #tpu.memory_space<vmem>>, %arg8: memref<512x256xf32, #tpu.memory_space<vmem>>, %arg9: memref<512xi32, #tpu.memory_space<vmem>>, %arg10: memref<1x1xf32, #tpu.memory_space<vmem>>) attributes {dimension_semantics = [#tpu.dimension_semantics<arbitrary>], iteration_bounds = array<i64: 16>, scalar_prefetch = 0 : i64, scratch_operands = 0 : i64, tpu.core_type = #tpu.core_type<tc>, window_params = [{transform_indices = @transform_0, window_bounds = array<i64: 512, 4096>}, {pipeline_mode = #tpu.pipeline_mode<synchronous>, transform_indices = @transform_1, window_bounds = array<i64: 4096, 256>}, {pipeline_mode = #tpu.pipeline_mode<synchronous>, transform_indices = @transform_2, window_bounds = array<i64: 1, 256>}, {pipeline_mode = #tpu.pipeline_mode<synchronous>, transform_indices = @transform_3, window_bounds = array<i64: 1, 256>}, {pipeline_mode = #tpu.pipeline_mode<synchronous>, transform_indices = @transform_4, window_bounds = array<i64: 1, 256>}, {pipeline_mode = #tpu.pipeline_mode<synchronous>, transform_indices = @transform_5, window_bounds = array<i64: 256, 64>}, {pipeline_mode = #tpu.pipeline_mode<synchronous>, transform_indices = @transform_6, window_bounds = array<i64: 1, 64>}, {transform_indices = @transform_7, window_bounds = array<i64: 512, 256>}, {transform_indices = @transform_8, window_bounds = array<i64: 512>}, {pipeline_mode = #tpu.pipeline_mode<synchronous>, transform_indices = @transform_9, window_bounds = array<i64: 1, 1>}]} {
    %get3A = arith.constant 0 : index
    %get3A_0 = arith.constant 0 : index
    %get3A_1 = vector.load %arg1[%get3A, %get3A_0] : memref<512x4096xf32, #tpu.memory_space<vmem>>, vector<512x4096xf32>
    %get3A_2 = arith.constant 0 : index
    %get3A_3 = arith.constant 0 : index
    %get3A_4 = vector.load %arg2[%get3A_2, %get3A_3] : memref<4096x256xf32, #tpu.memory_space<vmem>>, vector<4096x256xf32>
    %dot_general3A = arith.constant dense<0.000000e+00> : vector<512x256xf32>
    %dot_general3A_5 = tpu.matmul %get3A_1, %get3A_4, %dot_general3A {dimension_numbers = #tpu.dot_dimension_numbers<[1], [0], [0], [1], [0, 0, 1, 1], [], []>, transpose_lhs_hint = false} : vector<512x4096xf32>, vector<4096x256xf32>, vector<512x256xf32> -> vector<512x256xf32>
    %get3A_6 = arith.constant 0 : index
    %get3A_7 = arith.constant 0 : index
    %get3A_8 = vector.load %arg3[%get3A_6, %get3A_7] : memref<1x256xf32, #tpu.memory_space<vmem>>, vector<1x256xf32>
    %add3A = vector.broadcast %get3A_8 : vector<1x256xf32> to vector<512x256xf32>
    %add3A_9 = arith.addf %dot_general3A_5, %add3A : vector<512x256xf32>
    %reduce_sum3A = arith.constant dense<0.000000e+00> : vector<512xf32>
    %reduce_sum3A_10 = vector.multi_reduction <add>, %add3A_9, %reduce_sum3A [1] : vector<512x256xf32> to vector<512xf32>
    %broadcast_in_dim3A = vector.shape_cast %reduce_sum3A_10 : vector<512xf32> to vector<512x1xf32>
    %div3A = arith.constant 2.560000e+02 : f32
    %div3A_11 = vector.broadcast %div3A : f32 to vector<512x1xf32>
    %div3A_12 = arith.divf %broadcast_in_dim3A, %div3A_11 : vector<512x1xf32>
    %sub3A = vector.broadcast %div3A_12 : vector<512x1xf32> to vector<512x256xf32>
    %sub3A_13 = arith.subf %add3A_9, %sub3A : vector<512x256xf32>
    %integer_pow3A = arith.mulf %sub3A_13, %sub3A_13 : vector<512x256xf32>
    %reduce_sum3A_14 = arith.constant dense<0.000000e+00> : vector<512xf32>
    %reduce_sum3A_15 = vector.multi_reduction <add>, %integer_pow3A, %reduce_sum3A_14 [1] : vector<512x256xf32> to vector<512xf32>
    %broadcast_in_dim3A_16 = vector.shape_cast %reduce_sum3A_15 : vector<512xf32> to vector<512x1xf32>
    %div3A_17 = arith.constant 2.560000e+02 : f32
    %div3A_18 = vector.broadcast %div3A_17 : f32 to vector<512x1xf32>
    %div3A_19 = arith.divf %broadcast_in_dim3A_16, %div3A_18 : vector<512x1xf32>
    %sub3A_20 = vector.broadcast %div3A_12 : vector<512x1xf32> to vector<512x256xf32>
    %sub3A_21 = arith.subf %add3A_9, %sub3A_20 : vector<512x256xf32>
    %add3A_22 = arith.constant 9.99999974E-6 : f32
    %add3A_23 = vector.broadcast %add3A_22 : f32 to vector<512x1xf32>
    %add3A_24 = arith.addf %div3A_19, %add3A_23 : vector<512x1xf32>
    %sqrt3A = math.sqrt %add3A_24 : vector<512x1xf32>
    %div3A_25 = vector.broadcast %sqrt3A : vector<512x1xf32> to vector<512x256xf32>
    %div3A_26 = arith.divf %sub3A_21, %div3A_25 : vector<512x256xf32>
    %get3A_27 = arith.constant 0 : index
    %get3A_28 = arith.constant 0 : index
    %get3A_29 = vector.load %arg4[%get3A_27, %get3A_28] : memref<1x256xf32, #tpu.memory_space<vmem>>, vector<1x256xf32>
    %mul3A = vector.broadcast %get3A_29 : vector<1x256xf32> to vector<512x256xf32>
    %mul3A_30 = arith.mulf %div3A_26, %mul3A : vector<512x256xf32>
    %get3A_31 = arith.constant 0 : index
    %get3A_32 = arith.constant 0 : index
    %get3A_33 = vector.load %arg5[%get3A_31, %get3A_32] : memref<1x256xf32, #tpu.memory_space<vmem>>, vector<1x256xf32>
    %add3A_34 = vector.broadcast %get3A_33 : vector<1x256xf32> to vector<512x256xf32>
    %add3A_35 = arith.addf %mul3A_30, %add3A_34 : vector<512x256xf32>
    %swap3A = arith.constant 0 : index
    %swap3A_36 = arith.constant 0 : index
    %swap3A_37 = vector.load %arg8[%swap3A, %swap3A_36] : memref<512x256xf32, #tpu.memory_space<vmem>>, vector<512x256xf32>
    tpu.vector_store %arg8[%swap3A, %swap3A_36], %add3A_35 {strides = array<i32>} : memref<512x256xf32, #tpu.memory_space<vmem>>, vector<512x256xf32>,
    %mul3A_38 = arith.mulf %add3A_35, %add3A_35 : vector<512x256xf32>
    %reduce_sum3A_39 = arith.constant dense<0.000000e+00> : vector<512xf32>
    %reduce_sum3A_40 = vector.multi_reduction <add>, %mul3A_38, %reduce_sum3A_39 [1] : vector<512x256xf32> to vector<512xf32>
    %broadcast_in_dim3A_41 = vector.shape_cast %reduce_sum3A_40 : vector<512xf32> to vector<512x1xf32>
    %get3A_42 = arith.constant 0 : index
    %get3A_43 = arith.constant 0 : index
    %get3A_44 = vector.load %arg6[%get3A_42, %get3A_43] : memref<256x64xf32, #tpu.memory_space<vmem>>, vector<256x64xf32>
    %dot_general3A_45 = arith.constant dense<0.000000e+00> : vector<512x64xf32>
    %dot_general3A_46 = tpu.matmul %add3A_35, %get3A_44, %dot_general3A_45 {dimension_numbers = #tpu.dot_dimension_numbers<[1], [0], [0], [1], [0, 0, 1, 1], [], []>, transpose_lhs_hint = false} : vector<512x256xf32>, vector<256x64xf32>, vector<512x64xf32> -> vector<512x64xf32>
    %mul3A_47 = arith.constant 2.000000e+00 : f32
    %mul3A_48 = vector.broadcast %mul3A_47 : f32 to vector<512x64xf32>
    %mul3A_49 = arith.mulf %mul3A_48, %dot_general3A_46 : vector<512x64xf32>
    %sub3A_50 = vector.broadcast %broadcast_in_dim3A_41 : vector<512x1xf32> to vector<512x64xf32>
    %sub3A_51 = arith.subf %sub3A_50, %mul3A_49 : vector<512x64xf32>
    %get3A_52 = arith.constant 0 : index
    %get3A_53 = arith.constant 0 : index
    %get3A_54 = vector.load %arg7[%get3A_52, %get3A_53] : memref<1x64xf32, #tpu.memory_space<vmem>>, vector<1x64xf32>
    %add3A_55 = vector.broadcast %get3A_54 : vector<1x64xf32> to vector<512x64xf32>
    %add3A_56 = arith.addf %sub3A_51, %add3A_55 : vector<512x64xf32>
    %reduce_min3A = arith.constant dense<0x7F800000> : vector<512xf32>
    %reduce_min3A_57 = vector.multi_reduction <minimumf>, %add3A_56, %reduce_min3A [1] : vector<512x64xf32> to vector<512xf32>
    %broadcast_in_dim3A_58 = vector.shape_cast %reduce_min3A_57 : vector<512xf32> to vector<512x1xf32>
    %iota3A = tpu.iota {dimensions = array<i32: 1>} : vector<512x64xi32>
    %eq3A = vector.broadcast %broadcast_in_dim3A_58 : vector<512x1xf32> to vector<512x64xf32>
    %eq3A_59 = arith.cmpf oeq, %add3A_56, %eq3A : vector<512x64xf32>
    %jit3A = arith.constant 1073741824 : i32
    %broadcast_in_dim3A_60 = vector.broadcast %jit3A : i32 to vector<512x64xi32>
    %select_n3A = arith.select %eq3A_59, %iota3A, %broadcast_in_dim3A_60 : vector<512x64xi1>, vector<512x64xi32>
    %reduce_min3A_61 = arith.constant dense<2147483647> : vector<512xi32>
    %reduce_min3A_62 = vector.multi_reduction <minsi>, %select_n3A, %reduce_min3A_61 [1] : vector<512x64xi32> to vector<512xi32>
    %swap3A_63 = arith.constant 0 : index
    %swap3A_64 = vector.load %arg9[%swap3A_63] : memref<512xi32, #tpu.memory_space<vmem>>, vector<512xi32>
    tpu.vector_store %arg9[%swap3A_63], %reduce_min3A_62 {strides = array<i32>} : memref<512xi32, #tpu.memory_space<vmem>>, vector<512xi32>,
    %eq3A_65 = arith.constant 0 : i32
    %eq3A_66 = arith.cmpi eq, %arg0, %eq3A_65 : i32
    %convert_element_type3A = arith.extui %eq3A_66 : i1 to i32
    %cond3A = arith.constant 0 : i32
    %cond3A_67 = arith.cmpi ne, %convert_element_type3A, %cond3A : i32
    scf.if %cond3A_67 {
      %broadcast_in_dim3A_78 = arith.constant 0.000000e+00 : f32
      %broadcast_in_dim3A_79 = vector.broadcast %broadcast_in_dim3A_78 : f32 to vector<1x1xf32>
      %swap3A_80 = arith.constant 0 : index
      %swap3A_81 = arith.constant 0 : index
      %swap3A_82 = vector.load %arg10[%swap3A_80, %swap3A_81] : memref<1x1xf32, #tpu.memory_space<vmem>>, vector<1x1xf32>
      tpu.vector_store %arg10[%swap3A_80, %swap3A_81], %broadcast_in_dim3A_79 {strides = array<i32>} : memref<1x1xf32, #tpu.memory_space<vmem>>, vector<1x1xf32>,
    } else {
    }
    %get3A_68 = arith.constant 0 : index
    %get3A_69 = arith.constant 0 : index
    %get3A_70 = vector.load %arg10[%get3A_68, %get3A_69] : memref<1x1xf32, #tpu.memory_space<vmem>>, vector<1x1xf32>
    %reduce_sum3A_71 = arith.constant dense<0.000000e+00> : vector<1xf32>
    %reduce_sum3A_72 = vector.multi_reduction <add>, %broadcast_in_dim3A_58, %reduce_sum3A_71 [0] : vector<512x1xf32> to vector<1xf32>
    %broadcast_in_dim3A_73 = vector.shape_cast %reduce_sum3A_72 : vector<1xf32> to vector<1x1xf32>
    %add3A_74 = arith.addf %get3A_70, %broadcast_in_dim3A_73 : vector<1x1xf32>
    %swap3A_75 = arith.constant 0 : index
    %swap3A_76 = arith.constant 0 : index
    %swap3A_77 = vector.load %arg10[%swap3A_75, %swap3A_76] : memref<1x1xf32, #tpu.memory_space<vmem>>, vector<1x1xf32>
    tpu.vector_store %arg10[%swap3A_75, %swap3A_76], %add3A_74 {strides = array<i32>} : memref<1x1xf32, #tpu.memory_space<vmem>>, vector<1x1xf32>,
    return
  }
  func.func @transform_0(%arg0: i32) -> (i32, i32) {
    %c0_i32 = arith.constant 0 : i32
    %c0_i32_0 = arith.constant 0 : i32
    return %arg0, %c0_i32 : i32, i32
  }
  func.func @transform_1(%arg0: i32) -> (i32, i32) {
    %c0_i32 = arith.constant 0 : i32
    %c0_i32_0 = arith.constant 0 : i32
    %c0_i32_1 = arith.constant 0 : i32
    return %c0_i32, %c0_i32_0 : i32, i32
  }
  func.func @transform_2(%arg0: i32) -> (i32, i32) {
    %c0_i32 = arith.constant 0 : i32
    %c0_i32_0 = arith.constant 0 : i32
    %c0_i32_1 = arith.constant 0 : i32
    return %c0_i32, %c0_i32_0 : i32, i32
  }
  func.func @transform_3(%arg0: i32) -> (i32, i32) {
    %c0_i32 = arith.constant 0 : i32
    %c0_i32_0 = arith.constant 0 : i32
    %c0_i32_1 = arith.constant 0 : i32
    return %c0_i32, %c0_i32_0 : i32, i32
  }
  func.func @transform_4(%arg0: i32) -> (i32, i32) {
    %c0_i32 = arith.constant 0 : i32
    %c0_i32_0 = arith.constant 0 : i32
    %c0_i32_1 = arith.constant 0 : i32
    return %c0_i32, %c0_i32_0 : i32, i32
  }
  func.func @transform_5(%arg0: i32) -> (i32, i32) {
    %c0_i32 = arith.constant 0 : i32
    %c0_i32_0 = arith.constant 0 : i32
    %c0_i32_1 = arith.constant 0 : i32
    return %c0_i32, %c0_i32_0 : i32, i32
  }
  func.func @transform_6(%arg0: i32) -> (i32, i32) {
    %c0_i32 = arith.constant 0 : i32
    %c0_i32_0 = arith.constant 0 : i32
    %c0_i32_1 = arith.constant 0 : i32
    return %c0_i32, %c0_i32_0 : i32, i32
  }
  func.func @transform_7(%arg0: i32) -> (i32, i32) {
    %c0_i32 = arith.constant 0 : i32
    %c0_i32_0 = arith.constant 0 : i32
    return %arg0, %c0_i32 : i32, i32
  }
  func.func @transform_8(%arg0: i32) -> i32 {
    %c0_i32 = arith.constant 0 : i32
    return %arg0 : i32
  }
  func.func @transform_9(%arg0: i32) -> (i32, i32) {
    %c0_i32 = arith.constant 0 : i32
    %c0_i32_0 = arith.constant 0 : i32
    %c0_i32_1 = arith.constant 0 : i32
    return %c0_i32, %c0_i32_0 : i32, i32
  }
}

module attributes {stable_mosaic.version = 14 : i64} {
  func.func @_recon_block(%arg0: i32, %arg1: memref<512xi32, #tpu.memory_space<vmem>>, %arg2: memref<64x4096xf32, #tpu.memory_space<vmem>>, %arg3: memref<512x4096xf32, #tpu.memory_space<vmem>>) attributes {dimension_semantics = [#tpu.dimension_semantics<arbitrary>], iteration_bounds = array<i64: 16>, scalar_prefetch = 0 : i64, scratch_operands = 0 : i64, tpu.core_type = #tpu.core_type<tc>, window_params = [{transform_indices = @transform_0, window_bounds = array<i64: 512>}, {pipeline_mode = #tpu.pipeline_mode<synchronous>, transform_indices = @transform_1, window_bounds = array<i64: 64, 4096>}, {transform_indices = @transform_2, window_bounds = array<i64: 512, 4096>}]} {
    %get3A = arith.constant 0 : index
    %get3A_0 = vector.load %arg1[%get3A] : memref<512xi32, #tpu.memory_space<vmem>>, vector<512xi32>
    %iota3A = tpu.iota {dimensions = array<i32: 1>} : vector<512x64xi32>
    %broadcast_in_dim3A = vector.shape_cast %get3A_0 : vector<512xi32> to vector<512x1xi32>
    %eq3A = vector.broadcast %broadcast_in_dim3A : vector<512x1xi32> to vector<512x64xi32>
    %eq3A_1 = arith.cmpi eq, %iota3A, %eq3A : vector<512x64xi32>
    %convert_element_type3A = arith.extui %eq3A_1 : vector<512x64xi1> to vector<512x64xi32>
    %convert_element_type3A_2 = arith.sitofp %convert_element_type3A : vector<512x64xi32> to vector<512x64xf32>
    %get3A_3 = arith.constant 0 : index
    %get3A_4 = arith.constant 0 : index
    %get3A_5 = vector.load %arg2[%get3A_3, %get3A_4] : memref<64x4096xf32, #tpu.memory_space<vmem>>, vector<64x4096xf32>
    %dot_general3A = arith.constant dense<0.000000e+00> : vector<512x4096xf32>
    %dot_general3A_6 = tpu.matmul %convert_element_type3A_2, %get3A_5, %dot_general3A {dimension_numbers = #tpu.dot_dimension_numbers<[1], [0], [0], [1], [0, 0, 1, 1], [], []>, transpose_lhs_hint = false} : vector<512x64xf32>, vector<64x4096xf32>, vector<512x4096xf32> -> vector<512x4096xf32>
    %swap3A = arith.constant 0 : index
    %swap3A_7 = arith.constant 0 : index
    %swap3A_8 = vector.load %arg3[%swap3A, %swap3A_7] : memref<512x4096xf32, #tpu.memory_space<vmem>>, vector<512x4096xf32>
    tpu.vector_store %arg3[%swap3A, %swap3A_7], %dot_general3A_6 {strides = array<i32>} : memref<512x4096xf32, #tpu.memory_space<vmem>>, vector<512x4096xf32>,
    return
  }
  func.func @transform_0(%arg0: i32) -> i32 {
    %c0_i32 = arith.constant 0 : i32
    return %arg0 : i32
  }
  func.func @transform_1(%arg0: i32) -> (i32, i32) {
    %c0_i32 = arith.constant 0 : i32
    %c0_i32_0 = arith.constant 0 : i32
    %c0_i32_1 = arith.constant 0 : i32
    return %c0_i32, %c0_i32_0 : i32, i32
  }
  func.func @transform_2(%arg0: i32) -> (i32, i32) {
    %c0_i32 = arith.constant 0 : i32
    %c0_i32_0 = arith.constant 0 : i32
    return %arg0, %c0_i32 : i32, i32
  }
}

module attributes {stable_mosaic.version = 14 : i64} {
  func.func @_decode_table_block(%arg0: memref<64x256xf32, #tpu.memory_space<vmem>>, %arg1: memref<256x4096xf32, #tpu.memory_space<vmem>>, %arg2: memref<1x4096xf32, #tpu.memory_space<vmem>>, %arg3: memref<64x4096xf32, #tpu.memory_space<vmem>>) attributes {dimension_semantics = [], scalar_prefetch = 0 : i64, scratch_operands = 0 : i64, tpu.core_type = #tpu.core_type<tc>} {
    %get3A = arith.constant 0 : index
    %get3A_0 = arith.constant 0 : index
    %get3A_1 = vector.load %arg0[%get3A, %get3A_0] : memref<64x256xf32, #tpu.memory_space<vmem>>, vector<64x256xf32>
    %get3A_2 = arith.constant 0 : index
    %get3A_3 = arith.constant 0 : index
    %get3A_4 = vector.load %arg1[%get3A_2, %get3A_3] : memref<256x4096xf32, #tpu.memory_space<vmem>>, vector<256x4096xf32>
    %dot_general3A = arith.constant dense<0.000000e+00> : vector<64x4096xf32>
    %dot_general3A_5 = tpu.matmul %get3A_1, %get3A_4, %dot_general3A {dimension_numbers = #tpu.dot_dimension_numbers<[1], [0], [0], [1], [0, 0, 1, 1], [], []>, transpose_lhs_hint = false} : vector<64x256xf32>, vector<256x4096xf32>, vector<64x4096xf32> -> vector<64x4096xf32>
    %get3A_6 = arith.constant 0 : index
    %get3A_7 = arith.constant 0 : index
    %get3A_8 = vector.load %arg2[%get3A_6, %get3A_7] : memref<1x4096xf32, #tpu.memory_space<vmem>>, vector<1x4096xf32>
    %add3A = vector.broadcast %get3A_8 : vector<1x4096xf32> to vector<64x4096xf32>
    %add3A_9 = arith.addf %dot_general3A_5, %add3A : vector<64x4096xf32>
    %swap3A = arith.constant 0 : index
    %swap3A_10 = arith.constant 0 : index
    %swap3A_11 = vector.load %arg3[%swap3A, %swap3A_10] : memref<64x4096xf32, #tpu.memory_space<vmem>>, vector<64x4096xf32>
    tpu.vector_store %arg3[%swap3A, %swap3A_10], %add3A_9 {strides = array<i32>} : memref<64x4096xf32, #tpu.memory_space<vmem>>, vector<64x4096xf32>,
    return
  }
}

</mosaic_0001>

<sc_bundles>
// kernel: kernel.6.cloned.1.call-start
scs
__scs_entry_jumppad:
0x0: {  	(pc) =	sbr.rel $0x88, $3  }
0x1: {  	(tag) =	ssettag $0x0;
	lr =	simm.s32 $0x1  }
0x2: {  	[smem:$0x3F99] =	sst lr;
	_ =	strace $0xD0000000  }
0x3: {  	_ = 	snop  }
0x4: {  	_ = 	snop  }
0x5: {  	_ = 	snop  }
0x6: {  	_ = 	snop  }
0x7: {  	_ = 	snop  }
__scs_overlays_trampoline_lowered:
0x8: {  	[smem:$0x3FA8] =	sst s0  }
0x9: {  	[smem:$0x3FA9] =	sst s1  }
0xa: {  	[smem:$0x3FAA] =	sst s2  }
0xb: {  	[smem:$0x3FAB] =	sst s3  }
0xc: {  	[smem:$0x3FAC] =	sst s4  }
0xd: {  	[smem:$0x3FAD] =	sst s5  }
0xe: {  	[smem:$0x3FAE] =	sst s6  }
0xf: {  	[smem:$0x3FAF] =	sst s7  }
0x10: {  	[smem:$0x3FB0] =	sst s8  }
0x11: {  	[smem:$0x3FB1] =	sst s9;
	s0 =	simm.s32 @!p0 $0x0  }
0x12: {  	s1 =	sld [smem:$0x3F97];
	s0 =	simm.s32 @p0 $0x1  }
0x13: {  	[smem:$0x3FB2] =	sst s0;
	s0 =	simm.s32 @!p1 $0x0  }
0x14: {  	s2 =	sld [smem:$0x3F96];
	s0 =	simm.s32 @p1 $0x1  }
0x15: {  	[smem:$0x3FB3] =	sst s0;
	s0 =	simm.s32 @!p2 $0x0  }
0x16: {  	s3 =	sld [smem:$0x3FDB];
	s0 =	simm.s32 @p2 $0x1  }
0x17: {  	s4 =	simm.s32 $0x1BF5;
	[smem:$0x3FB5] =	sst s0  }
0x18: {  	s0 =	sld [smem:$0x3F98];
	_ =	swait.ge [sflag:s4], $0x0  }
0x19: {  	s7 =	sld [smem:$0x3F99]  }
0x1a: {  	s8 =	sadd.s32 $0xFFFFE003, lr  }
0x1b: {  	s9 =	sadd.s32 $0xFFFFFEF7, lr;
	s5 =	simm.s32 $0xFFFFFFFF;
	p2 =	slt.u32 s8, $0xFFFFF086  }
0x1c: {  	p1 =	slt.u32 s9, $0xF7A;
	s5 =	simm.s32 @!p2 $0x0  }
0x1d: {  	s5 =	simm.s32 @p1 $0x1;
	p0 =	seq.s32 s7, s2  }
0x1e: {  	s7 =	smul.u32 @!p0 $0xF7A, s2;
	p2 =	seq.s32 @!p0 s5, $0x0  }
0x1f: {  	s9 =	smul.u32 $0xF7A, s1;
	s8 =	simm.s32 @!p0 $0x1BF5;
	p2 =	por !p2, p0  }
0x20: {  	[sflag:s8] =	ssyncset.s32 @!p0 $0xFFFFF086;
	s6 =	sadd.s32 @!p0 s3, s7;
	s7 =	simm.s32 @!p0 $0x108  }
0x21: {  	s3 =	sadd.s32 s3, s9;
	s6 =	sadd.s32 @!p0 $0x88, s6;
	s7 =	simm.s32 @p2 $0x1082  }
0x22: {  	[simem:s7], [sflag:s8] =	dma.local @!p0 [hbm:s6], $0xF7A  }
0x23: {  	s9 =	sor.u32 $0xD0000000, s2;
	s6 =	simm.s32 $0x108;
	_ =	swait.ge @!p0 [sflag:s8], $0x0  }
0x24: {  	s3 =	sadd.s32 $0x88, s3;
	s6 =	simm.s32 @!p1 $0x1082;
	[sflag:s4] =	ssyncset.s32 $0xFFFFF086  }
0x25: {  	[simem:s6], [sflag:s4] =	dma.local [hbm:s3], $0xF7A  }
0x26: {  	[smem:$0x3F99] =	sst s1;
	(tag) =	ssettag s2;
	_ =	strace s9  }
0x27: {  	s1 =	sld [smem:$0x3FA9]  }
0x28: {  	s2 =	sld [smem:$0x3FAA]  }
0x29: {  	s4 =	sld [smem:$0x3FAC]  }
0x2a: {  	p0 =	seq.s32 s5, $0x0;
	s5 =	sld [smem:$0x3FAD]  }
0x2b: {  	s6 =	sld [smem:$0x3FAE]  }
0x2c: {  	s7 =	sld [smem:$0x3FAF]  }
0x2d: {  	s3 =	simm.s32 $0x108;
	s8 =	sld [smem:$0x3FB0]  }
0x2e: {  	s3 =	simm.s32 @!p0 $0x1082;
	s9 =	sld [smem:$0x3FB1]  }
0x2f: {  	lr =	sadd.s32 s0, s3;
	s0 =	sld [smem:$0x3FA8]  }
0x30: {  	s3 =	sld [smem:$0x3FAB]  }
0x31: {  	[smem:$0x3FB4] =	sst s10  }
0x32: {  	s10 =	sld [smem:$0x3FB2];
	_ =	sdelay $0x3  }
0x33: {  	p0 =	seq.s32 s10, $0x1;
	s10 =	sld [smem:$0x3FB4];
	_ =	sdelay $0x3  }
0x34: {  	[smem:$0x3FB4] =	sst s10  }
0x35: {  	s10 =	sld [smem:$0x3FB3];
	_ =	sdelay $0x3  }
0x36: {  	p1 =	seq.s32 s10, $0x1;
	s10 =	sld [smem:$0x3FB4];
	_ =	sdelay $0x3  }
0x37: {  	[smem:$0x3FB4] =	sst s10  }
0x38: {  	s10 =	sld [smem:$0x3FB5]  }
0x39: {  	_ = 	snop;
	(pc) =	sbr.ind lr, $3  }
0x3a: {  	_ = 	snop  }
0x3b: {  	_ = 	snop  }
0x3c: {  	p2 =	seq.s32 s10, $0x1;
	s10 =	sld [smem:$0x3FB4]  }
0x3d: {  	_ =	shalt  }
0x3e: {  	_ =	shalt  }
0x3f: {  	_ =	shalt  }
0x40: {  	_ =	shalt  }
0x41: {  	_ =	shalt  }
0x42: {  	_ =	shalt  }
0x43: {  	_ =	shalt  }
0x44: {  	_ =	shalt  }
0x45: {  	_ =	shalt  }
0x46: {  	_ =	shalt  }
0x47: {  	_ =	shalt  }
0x48: {  	_ =	shalt  }
0x49: {  	_ =	shalt  }
0x4a: {  	_ =	shalt  }
0x4b: {  	_ =	shalt  }
0x4c: {  	_ =	shalt  }
0x4d: {  	_ =	shalt  }
0x4e: {  	_ =	shalt  }
0x4f: {  	_ =	shalt  }
0x50: {  	_ =	shalt  }
0x51: {  	_ =	shalt  }
0x52: {  	_ =	shalt  }
0x53: {  	_ =	shalt  }
0x54: {  	_ =	shalt  }
0x55: {  	_ =	shalt  }
0x56: {  	_ =	shalt  }
0x57: {  	_ =	shalt  }
0x58: {  	_ =	shalt  }
0x59: {  	_ =	shalt  }
0x5a: {  	_ =	shalt  }
0x5b: {  	_ =	shalt  }
0x5c: {  	_ =	shalt  }
0x5d: {  	_ =	shalt  }
0x5e: {  	_ =	shalt  }
0x5f: {  	_ =	shalt  }
0x60: {  	_ =	shalt  }
0x61: {  	_ =	shalt  }
0x62: {  	_ =	shalt  }
0x63: {  	_ =	shalt  }
0x64: {  	_ =	shalt  }
0x65: {  	_ =	shalt  }
0x66: {  	_ =	shalt  }
0x67: {  	_ =	shalt  }
0x68: {  	_ =	shalt  }
0x69: {  	_ =	shalt  }
0x6a: {  	_ =	shalt  }
0x6b: {  	_ =	shalt  }
0x6c: {  	_ =	shalt  }
0x6d: {  	_ =	shalt  }
0x6e: {  	_ =	shalt  }
0x6f: {  	_ =	shalt  }
0x70: {  	_ =	shalt  }
0x71: {  	_ =	shalt  }
0x72: {  	_ =	shalt  }
0x73: {  	_ =	shalt  }
0x74: {  	_ =	shalt  }
0x75: {  	_ =	shalt  }
0x76: {  	_ =	shalt  }
0x77: {  	_ =	shalt  }
0x78: {  	_ =	shalt  }
0x79: {  	_ =	shalt  }
0x7a: {  	_ =	shalt  }
0x7b: {  	_ =	shalt  }
0x7c: {  	_ =	shalt  }
0x7d: {  	_ =	shalt  }
0x7e: {  	_ =	shalt  }
0x7f: {  	_ =	shalt  }
0x80: {  	_ =	shalt  }
0x81: {  	_ =	shalt  }
0x82: {  	_ =	shalt  }
0x83: {  	_ =	shalt  }
0x84: {  	_ =	shalt  }
0x85: {  	_ =	shalt  }
0x86: {  	_ =	shalt  }
0x87: {  	_ =	shalt  }
.Lfunc_end0:
.L_simem_size_0:
called_computation_lowered:
.L_overlay_start_0:
0x88: {  	s2 =	sld [smem:$0x3FD9]  }
0x89: {  	s3 =	sld [smem:$0x3FFE];
	_ =	sdelay $0x1  }
0x8a: {  	s1 =	srdreg.scid  }
0x8b: {  	s0 =	sand.u32 $0x1, s1  }
0x8c: {  	s14 =	sshll.u32 s0, $0xA;
	s2 =	sadd.s32 s3, s2  }
0x8d: {  	s2 =	sadd.s32 s2, s14  }
0x8e: {  	[smem:$0x3FC0] =	sst s2  }
0x8f: {  	_ = 	snop  }
0x90: {  	s2 =	sld [smem:$0x3FD0];
	_ =	sdelay $0x2  }
0x91: {  	s15 =	simm.s32 $0xA;
	s4 =	simm.s32 $0x10  }
0x92: {  	[smem:s4], [sflag:s15] =	dma.local [hbm:s2], $0x1  }
0x93: {  	_ =	swait.eq [sflag:s15], $0x1  }
0x94: {  	[sflag:s15] =	ssyncset.done $0x0  }
0x95: {  	s16 =	sld [smem:$0x12];
	[sflag:s15] =	ssyncadd.s32 $0xFFFFFFFF  }
0x96: {  	s17 =	sld [smem:$0x14];
	(tm) =	ssettm $0x1  }
0x97: {  	s18 =	sld [smem:$0x3FFB];
	_ =	sdelay $0x3  }
0x98: {  	_ =	strace s18  }
0x99: {  	s4 =	sld [smem:$0x3FFC];
	_ =	sdelay $0x3  }
0x9a: {  	_ =	strace s4  }
0x9b: {  	s4 =	sld [smem:$0x3FFD];
	_ =	sdelay $0x3  }
0x9c: {  	_ =	strace s4  }
0x9d: {  	_ =	strace $0x8FFFFFFF  }
0x9e: {  	s19 =	sld [smem:$0x3FDB];
	_ =	sdelay $0x1  }
0x9f: {  	s5 =	simm.s32 $_scs_section_size  }
0xa0: {  	s6 =	simm.s32 $_size__tile_overlayer_lowered;
	s7 =	simm.s32 $_tile_overlayer_lowered  }
0xa1: {  	s22 =	simm.s32 $0x1BFF;
	s21 =	sshll.u32 s7, $0x1;
	s4 =	sadd.s32 s5, s19  }
0xa2: {  	s8 =	simm.s32 $0x0;
	s20 =	sshll.u32 s6, $0x1;
	s6 =	sadd.s32 s21, s4  }
0xa3: {  	[timem:s8], [sflag:s22] =	dma.local [hbm:s6], s20  }
0xa4: {  	_ =	swait.ge [sflag:s22], s20  }
0xa5: {  	s5 =	ssub.s32 $0x0, s20;
	[sflag:s22] =	ssyncset.done $0x0  }
0xa6: {  	[sflag:s22] =	ssyncadd.s32 s5;
	_ =	sdelay $0x1  }
0xa7: {  	s23 =	simm.s32 $0x1B8B  }
0xa8: {  	_ =	swait.ge [sflag:s23], $0x1  }
0xa9: {  	[sflag:s23] =	ssyncset.done $0x0  }
0xaa: {  	s25 =	simm.s32 $0x1B8E;
	s24 =	sld [smem:$0x3FFE];
	[sflag:s23] =	ssyncadd.s32 $0xFFFFFFFF  }
0xab: {  	s26 =	simm.s32 $execute0_lowered;
	[smem:$0x3FD2] =	sst s25  }
0xac: {  	s6 =	sshll.u32 s26, $0x1;
	_ =	strace $0x80000046;
	[dreg:$0x1] =	wrdreg $0xFFFFFFFF  }
0xad: {  	s28 =	simm.s32 $_size_execute0_lowered;
	s4 =	sadd.s32 s4, s6;
	[dreg:$0x0] =	wrdreg $0x0  }
0xae: {  	s6 =	sshll.u32 s28, $0x1;
	[dreg:$0x2] =	wrdreg s4  }
0xaf: {  	[dreg:$0x3] =	wrdreg s6  }
0xb0: {  	[dreg:$0x4] =	wrdreg $0xC0  }
0xb1: {  	_ =	task [dreg:s8], $0x5FFFF  }
0xb2: {  	[dreg:$0x1] =	wrdreg $0xFFFFFFFF  }
0xb3: {  	[dreg:$0x0] =	wrdreg $0x60  }
0xb4: {  	[dreg:$0x2] =	wrdreg s17  }
0xb5: {  	[dreg:$0x3] =	wrdreg s16  }
0xb6: {  	[dreg:$0x4] =	wrdreg s24  }
0xb7: {  	[dreg:$0x5] =	wrdreg $0x9  }
0xb8: {  	_ =	task.clear_ibuf [dreg:s8], $0x6FFFF;
	_ =	strace $0x90000046  }
0xb9: {  	s29 =	simm.s32 $0x9;
	_ =	strace $0x80000048  }
0xba: {  	_ =	swait.ge [sflag:s29], $0x1  }
0xbb: {  	[sflag:s29] =	ssyncadd.s32 $0xFFFFFFFF  }
0xbc: {  	_ =	strace $0x90000048  }
0xbd: {  	_ =	sfence  }
0xbe: {  	s30 =	sld [smem:$0x0];
	_ =	sdelay $0x2  }
0xbf: {  	s31 =	sshll.u32 s1, $0xD;
	s1 =	sshrl.u32 s1, $0x2  }
0xc0: {  	s3 =	sand.u32 $0x4000, s31;
	s1 =	sadd.s32 s1, s30  }
0xc1: {  	s0 =	sor.u32 s3, s0;
	s1 =	sshll.u32 s1, $0x11  }
0xc2: {  	s0 =	sor.u32 s1, s0  }
0xc3: {  	s0 =	sadd.s32 $0x8F2B, s0  }
0xc4: {  	[sflag:s0] =	ssyncadd.remote.s32 $0x1  }
0xc5: {  	_ =	sfence.sel $0xFFFF  }
0xc6: {  	[dreg:$0x0] =	wrdreg $0xFFFFFFFF;
	(pc) =	sbr.abs _section_cstart, $3  }
0xc7: {  	[dreg:$0x1] =	wrdreg $0xFFFFFFFF  }
0xc8: {  	_ =	task.clear_ibuf [dreg:s8], $0x2FFFF;
	_ =	strace $0x9FFFFFFF  }
0xc9: {  	(tm) =	ssettm $0x7FFFFFFF  }
tec
execute0_lowered:
.L_overlay_start_1:
0x0: {  	(tag) =	ssettag $0x1  }
0x1: {  	s1 =	rddreg [dreg:$0x0]  }
0x2: {  	s4 =	rddreg [dreg:$0x1]  }
0x3: {  	s5 =	rddreg [dreg:$0x2]  }
0x4: {  	s0 =	rddreg [dreg:$0x3]  }
0x5: {  	s3 =	simm.s32 $0x0;
	s6 =	srdreg.scid;
	s2 =	stileid.u32;
	v0 =	vlaneseq.u32  }
0x6: {  	s10 =	simm.s32 $0x4100;
	s11 =	simm.s32 $0xC100;
	s12 =	simm.s32 $0x1;
	v0 =	vmul.u32 $0x100, v0  }
0x7: {  	s13 =	simm.s32 $0x0;
	s6 =	sand.u32 $0x1, s6;
	s7 =	sshll.u32 s2, $0x1  }
0x8: {  	[smem:$0x7FF] =	sst s3;
	s7 =	sor.u32 s6, s7;
	s6 =	ssub.s32 $0x2, s6;
	v1 =	vor.u32 $0x1000, v0;
	v2 =	vor.u32 $0x2000, v0;
	v3 =	vor.u32 $0x3000, v0  }
0x9: {  	_ =	strace $0x80000047;
	s8 =	sshll.u32 s7, $0xD;
	s9 =	sshrl.u32 s6, $0x1;
	v4 =	vor.u32 $0x4000, v0;
	v5 =	vor.u32 $0x5000, v0;
	v6 =	vor.u32 $0x6000, v0  }
0xa: {  	s7 =	sshll.u32 s7, $0x5;
	v7 =	vor.u32 $0x7000, v0;
	v8 =	vor.u32 $0x8000, v0;
	v9 =	vor.u32 $0x9000, v0;
	s8 =	sadd.s32 s8, s5;
	s9 =	ssub.s32 s6, s9  }
0xb: {  	v10 =	vor.u32 $0xA000, v0;
	v11 =	vor.u32 $0xB000, v0;
	v12 =	vor.u32 $0xC000, v0;
	s4 =	sadd.s32 s4, s7;
	s5 =	sadd.s32 $0x1200, s8;
	s6 =	sadd.s32 $0x2200, s8  }
0xc: {  	v13 =	vor.u32 $0xD000, v0;
	v14 =	vor.u32 $0xE000, v0;
	v15 =	vor.u32 $0xF000, v0;
	s7 =	smax.u32 s9, $0x1;
	s8 =	simm.s32 $0x2;
	s9 =	simm.s32 $0x4000  }
.LBB2_1:
0xd: {  	[tilespmem:s3], [sflag:$0x2] =	stream.linear.gather [hbm4b:s1+s3], $0x4000, $0x38;
	[tilespmem:$0x14100] =	vst v63  }
0xe: {  	_ =	swait.ge [sflag:s8], $0x4000  }
0xf: {  	[sflag:s8] =	ssyncset.done $0x0  }
0x10: {  	[sflag:s8] =	ssyncadd.s32 $0xFFFFC000  }
0x11: {  	[tilespmem:s9], [sflag:$0x2] =	stream.linear.gather [hbm4b:s4+s3], $0x100, $0x38;
	[tilespmem:$0x14100] =	vst v63  }
0x12: {  	_ =	swait.ge [sflag:s8], $0x100  }
0x13: {  	[sflag:s8] =	ssyncset.done $0x0  }
0x14: {  	[sflag:s8] =	ssyncadd.s32 $0xFFFFFF00  }
0x15: {  	v16 =	vld [tilespmem:$0x4000];
	_ =	sdelay $0x4  }
0x16: {  	v16 =	vshll.u32 v16, $0x8  }
0x17: {  	s24 =	simm.s32 $0x3;
	v17 =	vld [tilespmem:$0x4010];
	v18 =	vor.u32 s3, v16  }
0x18: {  	s22 =	simm.s32 $0x1;
	v21 =	vor.u32 s24, v16  }
0x19: {  	v20 =	vld [tilespmem:$0x4020];
	v23 =	vor.u32 s22, v16  }
0x1a: {  	v22 =	vld [tilespmem:$0x4030]  }
0x1b: {  	v24 =	vld [tilespmem:$0x4040]  }
0x1c: {  	v19 =	vshll.u32 v17, $0x8;
	v17 =	vor.u32 s3, v0;
	v18 =	vld.idx.msk [tilespmem:v18+s3+$0x0], $0xffff  }
0x1d: {  	v27 =	vor.u32 s24, v0;
	v26 =	vor.u32 s3, v19;
	v28 =	vld.idx.msk [tilespmem:v21+s3+$0x0], $0xffff  }
0x1e: {  	v29 =	vor.u32 s22, v0;
	v30 =	vor.u32 s24, v19;
	v31 =	vld.idx.msk [tilespmem:v23+s3+$0x0], $0xffff  }
0x1f: {  	s23 =	simm.s32 $0x2;
	v25 =	vld [tilespmem:$0x4050];
	v33 =	vor.u32 s22, v19  }
0x20: {  	s15 =	simm.s32 $0x6;
	v32 =	vld [tilespmem:$0x4060];
	v34 =	vor.u32 s23, v16  }
0x21: {  	v51 =	vor.u32 s15, v16;
	v23 =	vld [tilespmem:$0x4070];
	[tilespmem:v17+s10+$0x0] =	vst.idx.msk $0xffff, v18  }
0x22: {  	v21 =	vshll.u32 v20, $0x8;
	[tilespmem:v27+s10+$0x0] =	vst.idx.msk $0xffff, v28;
	v18 =	vor.u32 s3, v1;
	v17 =	vld.idx.msk [tilespmem:v26+s3+$0x0], $0xffff  }
0x23: {  	v20 =	vor.u32 s3, v21;
	[tilespmem:v29+s10+$0x0] =	vst.idx.msk $0xffff, v31;
	v27 =	vor.u32 s24, v1;
	v26 =	vld.idx.msk [tilespmem:v30+s3+$0x0], $0xffff  }
0x24: {  	v28 =	vor.u32 s24, v21;
	v29 =	vld.idx.msk [tilespmem:v33+s3+$0x0], $0xffff;
	v30 =	vor.u32 s22, v1  }
0x25: {  	v48 =	vld.idx.msk [tilespmem:v34+s3+$0x0], $0xffff;
	v49 =	vor.u32 s22, v21;
	v31 =	vor.u32 s23, v0  }
0x26: {  	v40 =	vor.u32 s15, v0;
	v35 =	vor.u32 s23, v19;
	v53 =	vld.idx.msk [tilespmem:v51+s3+$0x0], $0xffff  }
0x27: {  	s14 =	simm.s32 $0x4;
	v54 =	vor.u32 s15, v19;
	[tilespmem:v18+s10+$0x0] =	vst.idx.msk $0xffff, v17  }
0x28: {  	v18 =	vor.u32 s14, v16;
	v17 =	vshll.u32 v22, $0x8;
	v22 =	vor.u32 s3, v2;
	[tilespmem:v27+s10+$0x0] =	vst.idx.msk $0xffff, v26;
	v20 =	vld.idx.msk [tilespmem:v20+s3+$0x0], $0xffff  }
0x29: {  	[tilespmem:v30+s10+$0x0] =	vst.idx.msk $0xffff, v29;
	v27 =	vor.u32 s24, v2;
	v26 =	vld.idx.msk [tilespmem:v28+s3+$0x0], $0xffff;
	v28 =	vor.u32 s3, v17  }
0x2a: {  	s17 =	simm.s32 $0x7;
	[tilespmem:v31+s10+$0x0] =	vst.idx.msk $0xffff, v48;
	v30 =	vor.u32 s22, v2;
	v29 =	vld.idx.msk [tilespmem:v49+s3+$0x0], $0xffff;
	v31 =	vor.u32 s24, v17  }
0x2b: {  	v36 =	vor.u32 s17, v16;
	[tilespmem:v40+s10+$0x0] =	vst.idx.msk $0xffff, v53;
	v33 =	vld.idx.msk [tilespmem:v35+s3+$0x0], $0xffff  }
0x2c: {  	s16 =	simm.s32 $0x5;
	v35 =	vld.idx.msk [tilespmem:v54+s3+$0x0], $0xffff;
	v50 =	vor.u32 s22, v17  }
0x2d: {  	v37 =	vor.u32 s23, v1;
	v38 =	vld.idx.msk [tilespmem:v18+s3+$0x0], $0xffff;
	v18 =	vshll.u32 v24, $0x8;
	v24 =	vor.u32 s16, v16;
	[tilespmem:v22+s10+$0x0] =	vst.idx.msk $0xffff, v20  }
0x2e: {  	v20 =	vor.u32 s23, v21;
	[tilespmem:v27+s10+$0x0] =	vst.idx.msk $0xffff, v26;
	v27 =	vor.u32 s3, v3;
	v26 =	vld.idx.msk [tilespmem:v28+s3+$0x0], $0xffff  }
0x2f: {  	[tilespmem:v30+s10+$0x0] =	vst.idx.msk $0xffff, v29;
	v29 =	vor.u32 s24, v3;
	v30 =	vor.u32 s3, v18;
	v28 =	vld.idx.msk [tilespmem:v31+s3+$0x0], $0xffff  }
0x30: {  	v22 =	vld.idx.msk [tilespmem:v36+s3+$0x0], $0xffff;
	v52 =	vor.u32 s24, v18;
	v31 =	vor.u32 s14, v0  }
0x31: {  	v59 =	vor.u32 s22, v3;
	v39 =	vor.u32 s14, v19;
	v34 =	vld.idx.msk [tilespmem:v50+s3+$0x0], $0xffff  }
0x32: {  	s18 =	simm.s32 $0x8;
	v53 =	vor.u32 s15, v1;
	[tilespmem:v37+s10+$0x0] =	vst.idx.msk $0xffff, v33;
	v61 =	vor.u32 s22, v18;
	v24 =	vld.idx.msk [tilespmem:v24+s3+$0x0], $0xffff  }
0x33: {  	v41 =	vor.u32 s23, v2;
	v51 =	vor.u32 s18, v16;
	v37 =	vld.idx.msk [tilespmem:v20+s3+$0x0], $0xffff;
	[tilespmem:v27+s10+$0x0] =	vst.idx.msk $0xffff, v26  }
0x34: {  	v42 =	vor.u32 s16, v0;
	v26 =	vor.u32 s23, v17;
	[tilespmem:v29+s10+$0x0] =	vst.idx.msk $0xffff, v28;
	v28 =	vld.idx.msk [tilespmem:v30+s3+$0x0], $0xffff  }
0x35: {  	v43 =	vor.u32 s17, v0;
	v27 =	vor.u32 s16, v19;
	[tilespmem:v31+s10+$0x0] =	vst.idx.msk $0xffff, v38;
	v29 =	vld.idx.msk [tilespmem:v52+s3+$0x0], $0xffff  }
0x36: {  	s20 =	simm.s32 $0xA;
	v20 =	vshll.u32 v25, $0x8;
	v25 =	vor.u32 s17, v19;
	[tilespmem:v59+s10+$0x0] =	vst.idx.msk $0xffff, v34;
	v30 =	vor.u32 s24, v4;
	v31 =	vld.idx.msk [tilespmem:v39+s3+$0x0], $0xffff  }
0x37: {  	v55 =	vor.u32 s3, v4;
	[tilespmem:v53+s10+$0x0] =	vst.idx.msk $0xffff, v35;
	v50 =	vld.idx.msk [tilespmem:v61+s3+$0x0], $0xffff;
	v61 =	vor.u32 s20, v16  }
0x38: {  	v57 =	vor.u32 s14, v1;
	v56 =	vor.u32 s24, v20;
	v39 =	vld.idx.msk [tilespmem:v51+s3+$0x0], $0xffff;
	[tilespmem:v41+s10+$0x0] =	vst.idx.msk $0xffff, v37  }
0x39: {  	v60 =	vor.u32 s23, v3;
	v58 =	vor.u32 s3, v20;
	[tilespmem:v42+s10+$0x0] =	vst.idx.msk $0xffff, v24;
	v24 =	vld.idx.msk [tilespmem:v26+s3+$0x0], $0xffff  }
0x3a: {  	v62 =	vor.u32 s16, v1;
	[tilespmem:v43+s10+$0x0] =	vst.idx.msk $0xffff, v22;
	v26 =	vor.u32 s14, v21;
	v27 =	vld.idx.msk [tilespmem:v27+s3+$0x0], $0xffff  }
0x3b: {  	v63 =	vor.u32 s23, v18;
	v25 =	vld.idx.msk [tilespmem:v25+s3+$0x0], $0xffff;
	[tilespmem:v30+s10+$0x0] =	vst.idx.msk $0xffff, v29;
	v29 =	vor.u32 s17, v1  }
0x3c: {  	v52 =	vor.u32 s22, v4;
	[tilespmem:v55+s10+$0x0] =	vst.idx.msk $0xffff, v28;
	v28 =	vor.u32 s16, v21;
	v35 =	vld.idx.msk [tilespmem:v61+s3+$0x0], $0xffff  }
0x3d: {  	v45 =	vor.u32 s24, v5;
	v46 =	vor.u32 s17, v21;
	v22 =	vshll.u32 v32, $0x8;
	[tilespmem:v57+s10+$0x0] =	vst.idx.msk $0xffff, v31;
	v30 =	vld.idx.msk [tilespmem:v56+s3+$0x0], $0xffff  }
0x3e: {  	v47 =	vor.u32 s3, v5;
	v48 =	vor.u32 s24, v22;
	v31 =	vld.idx.msk [tilespmem:v58+s3+$0x0], $0xffff;
	[tilespmem:v60+s10+$0x0] =	vst.idx.msk $0xffff, v24  }
0x3f: {  	v49 =	vor.u32 s3, v22;
	v26 =	vld.idx.msk [tilespmem:v26+s3+$0x0], $0xffff;
	v24 =	vor.u32 s14, v2;
	[tilespmem:v62+s10+$0x0] =	vst.idx.msk $0xffff, v27  }
0x40: {  	s19 =	simm.s32 $0xB;
	v62 =	vor.u32 s18, v0;
	v27 =	vld.idx.msk [tilespmem:v63+s3+$0x0], $0xffff;
	[tilespmem:v29+s10+$0x0] =	vst.idx.msk $0xffff, v25;
	v25 =	vor.u32 s22, v20  }
0x41: {  	v54 =	vor.u32 s16, v2;
	[tilespmem:v52+s10+$0x0] =	vst.idx.msk $0xffff, v50;
	v28 =	vld.idx.msk [tilespmem:v28+s3+$0x0], $0xffff;
	v29 =	vor.u32 s19, v16  }
0x42: {  	v52 =	vor.u32 s18, v19;
	v56 =	vor.u32 s23, v4;
	v33 =	vld.idx.msk [tilespmem:v46+s3+$0x0], $0xffff;
	[tilespmem:v45+s10+$0x0] =	vst.idx.msk $0xffff, v30  }
0x43: {  	v55 =	vor.u32 s17, v2;
	v30 =	vor.u32 s16, v17;
	[tilespmem:v47+s10+$0x0] =	vst.idx.msk $0xffff, v31;
	v31 =	vld.idx.msk [tilespmem:v48+s3+$0x0], $0xffff  }
0x44: {  	v57 =	vor.u32 s24, v6;
	v58 =	vor.u32 s17, v17;
	[tilespmem:v24+s10+$0x0] =	vst.idx.msk $0xffff, v26;
	v26 =	vld.idx.msk [tilespmem:v49+s3+$0x0], $0xffff  }
0x45: {  	v59 =	vor.u32 s3, v6;
	v24 =	vor.u32 s14, v17;
	[tilespmem:v62+s10+$0x0] =	vst.idx.msk $0xffff, v39;
	v25 =	vld.idx.msk [tilespmem:v25+s3+$0x0], $0xffff  }
0x46: {  	s21 =	simm.s32 $0x9;
	v60 =	vor.u32 s23, v20;
	v29 =	vld.idx.msk [tilespmem:v29+s3+$0x0], $0xffff;
	[tilespmem:v54+s10+$0x0] =	vst.idx.msk $0xffff, v28;
	v28 =	vor.u32 s22, v5  }
0x47: {  	v23 =	vshll.u32 v23, $0x8;
	v53 =	vor.u32 s19, v0;
	v45 =	vor.u32 s21, v16;
	[tilespmem:v56+s10+$0x0] =	vst.idx.msk $0xffff, v27;
	v39 =	vld.idx.msk [tilespmem:v52+s3+$0x0], $0xffff  }
0x48: {  	v46 =	vor.u32 s16, v3;
	v54 =	vor.u32 s3, v23;
	v30 =	vld.idx.msk [tilespmem:v30+s3+$0x0], $0xffff;
	[tilespmem:v55+s10+$0x0] =	vst.idx.msk $0xffff, v33  }
0x49: {  	v63 =	vor.u32 s22, v22;
	v49 =	vor.u32 s17, v3;
	v47 =	vld.idx.msk [tilespmem:v58+s3+$0x0], $0xffff;
	[tilespmem:v57+s10+$0x0] =	vst.idx.msk $0xffff, v31  }
0x4a: {  	v27 =	vor.u32 s14, v3;
	v31 =	vor.u32 s24, v23;
	v24 =	vld.idx.msk [tilespmem:v24+s3+$0x0], $0xffff;
	[tilespmem:v59+s10+$0x0] =	vst.idx.msk $0xffff, v26  }
0x4b: {  	v50 =	vor.u32 s23, v5;
	v48 =	vor.u32 s15, v21;
	v26 =	vld.idx.msk [tilespmem:v60+s3+$0x0], $0xffff;
	[tilespmem:v28+s10+$0x0] =	vst.idx.msk $0xffff, v25  }
0x4c: {  	v51 =	vor.u32 s14, v18;
	v33 =	vld.idx.msk [tilespmem:v45+s3+$0x0], $0xffff;
	v25 =	vor.u32 s20, v0;
	[tilespmem:v53+s10+$0x0] =	vst.idx.msk $0xffff, v29  }
0x4d: {  	v28 =	vor.u32 s23, v22;
	v29 =	vld.idx.msk [tilespmem:v54+s3+$0x0], $0xffff;
	[tilespmem:v46+s10+$0x0] =	vst.idx.msk $0xffff, v30;
	v30 =	vor.u32 s21, v0  }
0x4e: {  	v55 =	vor.u32 s22, v6;
	v58 =	vor.u32 s20, v19;
	v32 =	vld.idx.msk [tilespmem:v63+s3+$0x0], $0xffff;
	[tilespmem:v49+s10+$0x0] =	vst.idx.msk $0xffff, v47  }
0x4f: {  	v46 =	vor.u32 s18, v1;
	[tilespmem:v27+s10+$0x0] =	vst.idx.msk $0xffff, v24;
	v24 =	vor.u32 s17, v18;
	v27 =	vld.idx.msk [tilespmem:v31+s3+$0x0], $0xffff  }
0x50: {  	v57 =	vor.u32 s22, v23;
	v31 =	vld.idx.msk [tilespmem:v48+s3+$0x0], $0xffff;
	[tilespmem:v50+s10+$0x0] =	vst.idx.msk $0xffff, v26;
	v26 =	vor.u32 s24, v7  }
0x51: {  	v44 =	vor.u32 s21, v19;
	v56 =	vld.idx.msk [tilespmem:v51+s3+$0x0], $0xffff;
	[tilespmem:v25+s10+$0x0] =	vst.idx.msk $0xffff, v35;
	v25 =	vor.u32 s15, v2  }
0x52: {  	v60 =	vor.u32 s23, v6;
	v47 =	vor.u32 s19, v19;
	v59 =	vld.idx.msk [tilespmem:v28+s3+$0x0], $0xffff;
	[tilespmem:v30+s10+$0x0] =	vst.idx.msk $0xffff, v33  }
0x53: {  	v61 =	vor.u32 s15, v17;
	v63 =	vor.u32 s14, v4;
	[tilespmem:v55+s10+$0x0] =	vst.idx.msk $0xffff, v32;
	v28 =	vld.idx.msk [tilespmem:v58+s3+$0x0], $0xffff  }
0x54: {  	v36 =	vor.u32 s23, v7;
	v62 =	vor.u32 s23, v23;
	v48 =	vor.u32 s17, v4;
	[tilespmem:v46+s10+$0x0] =	vst.idx.msk $0xffff, v39;
	v45 =	vld.idx.msk [tilespmem:v24+s3+$0x0], $0xffff  }
0x55: {  	v50 =	vor.u32 s17, v20;
	v51 =	vor.u32 s22, v7;
	v49 =	vld.idx.msk [tilespmem:v57+s3+$0x0], $0xffff;
	[tilespmem:v26+s10+$0x0] =	vst.idx.msk $0xffff, v27  }
0x56: {  	v43 =	vor.u32 s21, v1;
	v40 =	vor.u32 s14, v20;
	v38 =	vor.u32 s21, v21;
	v34 =	vld.idx.msk [tilespmem:v44+s3+$0x0], $0xffff;
	[tilespmem:v25+s10+$0x0] =	vst.idx.msk $0xffff, v31  }
0x57: {  	v42 =	vor.u32 s3, v7;
	v41 =	vor.u32 s19, v1;
	v35 =	vor.u32 s18, v21;
	v33 =	vld.idx.msk [tilespmem:v47+s3+$0x0], $0xffff;
	[tilespmem:v60+s10+$0x0] =	vst.idx.msk $0xffff, v59  }
0x58: {  	v39 =	vor.u32 s16, v18;
	v44 =	vor.u32 s15, v3;
	[tilespmem:v63+s10+$0x0] =	vst.idx.msk $0xffff, v56;
	v30 =	vld.idx.msk [tilespmem:v61+s3+$0x0], $0xffff  }
0x59: {  	v26 =	vor.u32 s17, v5;
	v27 =	vor.u32 s14, v6;
	v32 =	vld.idx.msk [tilespmem:v62+s3+$0x0], $0xffff;
	[tilespmem:v48+s10+$0x0] =	vst.idx.msk $0xffff, v45  }
0x5a: {  	s22 =	simm.s32 $0xC;
	v24 =	vor.u32 s19, v5;
	v25 =	vor.u32 s19, v21;
	v31 =	vor.u32 s15, v18;
	[tilespmem:v51+s10+$0x0] =	vst.idx.msk $0xffff, v49;
	v37 =	vld.idx.msk [tilespmem:v50+s3+$0x0], $0xffff  }
.LBB2_2:
0x5b: {  	v45 =	vor.u32 s22, v16;
	s25 =	sadd.s32 $0x1, s22;
	v40 =	vld.idx.msk [tilespmem:v40+s3+$0x0], $0xffff;
	v46 =	vor.u32 s14, v5  }
0x5c: {  	p0 =	slt.u32 s22, $0xFC;
	v47 =	vor.u32 s17, v6;
	[tilespmem:v42+s10+$0x0] =	vst.idx.msk $0xffff, v29;
	s24 =	smov.u32 s22;
	s22 =	sadd.s32 $0x4, s22;
	v42 =	vor.u32 s16, v4;
	v48 =	vor.u32 s18, v2  }
0x5d: {  	v29 =	vor.u32 s25, v16;
	s23 =	sadd.s32 $0x2, s24;
	v35 =	vld.idx.msk [tilespmem:v35+s3+$0x0], $0xffff;
	[tilespmem:v44+s10+$0x0] =	vst.idx.msk $0xffff, v30;
	v30 =	vor.u32 s17, v22  }
0x5e: {  	v49 =	vor.u32 s14, v22;
	s26 =	sadd.s32 $0x3, s24;
	v44 =	vor.u32 s23, v16;
	v39 =	vld.idx.msk [tilespmem:v39+s3+$0x0], $0xffff;
	[tilespmem:v36+s10+$0x0] =	vst.idx.msk $0xffff, v32  }
0x5f: {  	v32 =	vor.u32 s26, v16;
	v36 =	vor.u32 s26, v21;
	v50 =	vor.u32 s26, v5;
	[tilespmem:v43+s10+$0x0] =	vst.idx.msk $0xffff, v34;
	v31 =	vld.idx.msk [tilespmem:v31+s3+$0x0], $0xffff  }
0x60: {  	v52 =	vor.u32 s15, v4;
	v43 =	vor.u32 s21, v17;
	v34 =	vld.idx.msk [tilespmem:v38+s3+$0x0], $0xffff  }
0x61: {  	v38 =	vor.u32 s20, v1;
	[tilespmem:v41+s10+$0x0] =	vst.idx.msk $0xffff, v33;
	v33 =	vor.u32 s16, v20;
	v41 =	vor.u32 s21, v2  }
0x62: {  	v53 =	vor.u32 s19, v17;
	v51 =	vld.idx.msk [tilespmem:v25+s3+$0x0], $0xffff;
	[tilespmem:v26+s10+$0x0] =	vst.idx.msk $0xffff, v37;
	v25 =	vmovc v36;
	v36 =	vor.u32 s24, v0;
	v37 =	vor.u32 s19, v2  }
0x63: {  	v26 =	vmovc v24;
	v24 =	vmov v50;
	v50 =	vor.u32 s23, v0;
	[tilespmem:v46+s10+$0x0] =	vst.idx.msk $0xffff, v40;
	v30 =	vld.idx.msk [tilespmem:v30+s3+$0x0], $0xffff;
	v40 =	vor.u32 s24, v19  }
0x64: {  	v46 =	vor.u32 s25, v0;
	[tilespmem:v48+s10+$0x0] =	vst.idx.msk $0xffff, v35;
	v35 =	vor.u32 s18, v17;
	v48 =	vld.idx.msk [tilespmem:v49+s3+$0x0], $0xffff  }
0x65: {  	v49 =	vor.u32 s25, v19;
	v45 =	vld.idx.msk [tilespmem:v45+s3+$0x0], $0xffff;
	[tilespmem:v42+s10+$0x0] =	vst.idx.msk $0xffff, v39;
	v39 =	vor.u32 s15, v20  }
0x66: {  	v54 =	vor.u32 s26, v0;
	v42 =	vor.u32 s23, v19;
	[tilespmem:v38+s10+$0x0] =	vst.idx.msk $0xffff, v28;
	v28 =	vld.idx.msk [tilespmem:v33+s3+$0x0], $0xffff  }
0x67: {  	v33 =	vor.u32 s26, v19;
	v32 =	vld.idx.msk [tilespmem:v32+s3+$0x0], $0xffff;
	[tilespmem:v41+s10+$0x0] =	vst.idx.msk $0xffff, v34;
	v34 =	vor.u32 s16, v5  }
0x68: {  	v38 =	vld.idx.msk [tilespmem:v43+s3+$0x0], $0xffff;
	[tilespmem:v37+s10+$0x0] =	vst.idx.msk $0xffff, v51;
	v37 =	vor.u32 s16, v22  }
0x69: {  	v41 =	vor.u32 s21, v3;
	v51 =	vor.u32 s19, v3;
	v35 =	vld.idx.msk [tilespmem:v35+s3+$0x0], $0xffff;
	[tilespmem:v52+s10+$0x0] =	vst.idx.msk $0xffff, v31  }
0x6a: {  	v31 =	vor.u32 s18, v3;
	v43 =	vld.idx.msk [tilespmem:v53+s3+$0x0], $0xffff;
	[tilespmem:v47+s10+$0x0] =	vst.idx.msk $0xffff, v30;
	v30 =	vor.u32 s17, v23  }
0x6b: {  	v47 =	vor.u32 s20, v21;
	[tilespmem:v27+s10+$0x0] =	vst.idx.msk $0xffff, v48;
	v27 =	vld.idx.msk [tilespmem:v39+s3+$0x0], $0xffff;
	v39 =	vor.u32 s15, v5  }
0x6c: {  	v48 =	vor.u32 s18, v18;
	v44 =	vld.idx.msk [tilespmem:v44+s3+$0x0], $0xffff;
	[tilespmem:v34+s10+$0x0] =	vst.idx.msk $0xffff, v28;
	v28 =	vor.u32 s15, v22  }
0x6d: {  	[tilespmem:v36+s10+$0x0] =	vst.idx.msk $0xffff, v45;
	v34 =	vld.idx.msk [tilespmem:v37+s3+$0x0], $0xffff  }
0x6e: {  	v29 =	vld.idx.msk [tilespmem:v29+s3+$0x0], $0xffff;
	[tilespmem:v41+s10+$0x0] =	vst.idx.msk $0xffff, v38  }
0x6f: {  	[tilespmem:v31+s10+$0x0] =	vst.idx.msk $0xffff, v35;
	v31 =	vor.u32 s19, v18;
	v30 =	vld.idx.msk [tilespmem:v30+s3+$0x0], $0xffff  }
0x70: {  	v36 =	vor.u32 s14, v23;
	v37 =	vor.u32 s16, v6;
	v35 =	vld.idx.msk [tilespmem:v47+s3+$0x0], $0xffff;
	[tilespmem:v51+s10+$0x0] =	vst.idx.msk $0xffff, v43  }
0x71: {  	v41 =	vor.u32 s16, v23;
	v38 =	vld.idx.msk [tilespmem:v48+s3+$0x0], $0xffff;
	[tilespmem:v39+s10+$0x0] =	vst.idx.msk $0xffff, v27;
	v27 =	vor.u32 s17, v7;
	s17 =	smov.u32 s19;
	s19 =	smov.u32 s26  }
0x72: {  	v39 =	vor.u32 s20, v2;
	[tilespmem:v50+s10+$0x0] =	vst.idx.msk $0xffff, v44;
	v43 =	vld.idx.msk [tilespmem:v28+s3+$0x0], $0xffff;
	v44 =	vor.u32 s15, v6  }
0x73: {  	v47 =	vor.u32 s15, v23;
	v45 =	vld.idx.msk [tilespmem:v40+s3+$0x0], $0xffff;
	[tilespmem:v54+s10+$0x0] =	vst.idx.msk $0xffff, v32;
	v32 =	vor.u32 s20, v17  }
0x74: {  	[tilespmem:v46+s10+$0x0] =	vst.idx.msk $0xffff, v29;
	v46 =	vor.u32 s18, v4;
	v48 =	vld.idx.msk [tilespmem:v31+s3+$0x0], $0xffff  }
0x75: {  	v31 =	vor.u32 s24, v1;
	v29 =	vld.idx.msk [tilespmem:v36+s3+$0x0], $0xffff;
	[tilespmem:v37+s10+$0x0] =	vst.idx.msk $0xffff, v34  }
0x76: {  	v52 =	vor.u32 s16, v7;
	v37 =	vor.u32 s17, v4;
	v50 =	vld.idx.msk [tilespmem:v41+s3+$0x0], $0xffff;
	[tilespmem:v27+s10+$0x0] =	vst.idx.msk $0xffff, v30  }
0x77: {  	s16 =	smov.u32 s21;
	s21 =	smov.u32 s25;
	v51 =	vor.u32 s17, v20;
	v40 =	vor.u32 s18, v20;
	v28 =	vld.idx.msk [tilespmem:v42+s3+$0x0], $0xffff;
	[tilespmem:v39+s10+$0x0] =	vst.idx.msk $0xffff, v35  }
.Ltmp0:
0x78: {  	v36 =	vor.u32 s15, v7;
	v42 =	vor.u32 s14, v7;
	s14 =	smov.u32 s18;
	s18 =	smov.u32 s24;
	v30 =	vld.idx.msk [tilespmem:v32+s3+$0x0], $0xffff;
	[tilespmem:v44+s10+$0x0] =	vst.idx.msk $0xffff, v43;
	(pc) =	sbr.rel @p0 .LBB2_2-.Ltmp0, $4  }
0x79: {  	s15 =	smov.u32 s20;
	v35 =	vor.u32 s18, v21;
	v44 =	vor.u32 s20, v3;
	s20 =	smov.u32 s23;
	[tilespmem:v46+s10+$0x0] =	vst.idx.msk $0xffff, v38;
	v32 =	vld.idx.msk [tilespmem:v47+s3+$0x0], $0xffff  }
0x7a: {  	v39 =	vor.u32 s16, v18;
	v27 =	vor.u32 s14, v6;
	[tilespmem:v31+s10+$0x0] =	vst.idx.msk $0xffff, v45;
	v34 =	vld.idx.msk [tilespmem:v49+s3+$0x0], $0xffff  }
0x7b: {  	v43 =	vor.u32 s21, v1;
	v31 =	vor.u32 s15, v18;
	v33 =	vld.idx.msk [tilespmem:v33+s3+$0x0], $0xffff;
	[tilespmem:v37+s10+$0x0] =	vst.idx.msk $0xffff, v48  }
0x7c: {  	v41 =	vor.u32 s19, v1;
	v38 =	vor.u32 s21, v21;
	v37 =	vld.idx.msk [tilespmem:v51+s3+$0x0], $0xffff;
	[tilespmem:v52+s10+$0x0] =	vst.idx.msk $0xffff, v50  }
0x7d: {  	_ =	sdelay $0x3  }
0x7e: {  	[tilespmem:v42+s10+$0x0] =	vst.idx.msk $0xffff, v29  }
0x7f: {  	v16 =	vld.idx.msk [tilespmem:v40+s3+$0x0], $0xffff;
	v19 =	vor.u32 s14, v5;
	[tilespmem:v44+s10+$0x0] =	vst.idx.msk $0xffff, v30  }
0x80: {  	v29 =	vor.u32 s20, v1;
	[tilespmem:v36+s10+$0x0] =	vst.idx.msk $0xffff, v32  }
0x81: {  	v30 =	vld.idx.msk [tilespmem:v35+s3+$0x0], $0xffff;
	v62 =	vor.u32 s18, v2;
	v21 =	vor.u32 s20, v21;
	[tilespmem:v43+s10+$0x0] =	vst.idx.msk $0xffff, v34  }
0x82: {  	v63 =	vor.u32 s16, v4;
	v42 =	vor.u32 s17, v22;
	v43 =	vld.idx.msk [tilespmem:v39+s3+$0x0], $0xffff;
	[tilespmem:v41+s10+$0x0] =	vst.idx.msk $0xffff, v33  }
0x83: {  	v44 =	vor.u32 s14, v22;
	v25 =	vld.idx.msk [tilespmem:v25+s3+$0x0], $0xffff;
	[tilespmem:v26+s10+$0x0] =	vst.idx.msk $0xffff, v37;
	v26 =	vor.u32 s19, v2  }
0x84: {  	v46 =	vor.u32 s21, v2;
	v47 =	vor.u32 s19, v17;
	v45 =	vld.idx.msk [tilespmem:v38+s3+$0x0], $0xffff;
	[tilespmem:v19+s10+$0x0] =	vst.idx.msk $0xffff, v16  }
0x85: {  	v16 =	vld.idx.msk [tilespmem:v31+s3+$0x0], $0xffff;
	v19 =	vor.u32 s21, v17;
	v31 =	vor.u32 s15, v4;
	[tilespmem:v29+s10+$0x0] =	vst.idx.msk $0xffff, v28  }
0x86: {  	[tilespmem:v62+s10+$0x0] =	vst.idx.msk $0xffff, v30;
	v28 =	vor.u32 s18, v17;
	v29 =	vor.u32 s20, v2;
	v21 =	vld.idx.msk [tilespmem:v21+s3+$0x0], $0xffff  }
0x87: {  	v30 =	vor.u32 s17, v6;
	v48 =	vld.idx.msk [tilespmem:v42+s3+$0x0], $0xffff;
	v17 =	vor.u32 s20, v17;
	[tilespmem:v63+s10+$0x0] =	vst.idx.msk $0xffff, v43  }
0x88: {  	v49 =	vor.u32 s16, v20;
	v33 =	vld.idx.msk [tilespmem:v44+s3+$0x0], $0xffff;
	[tilespmem:v26+s10+$0x0] =	vst.idx.msk $0xffff, v25  }
0x89: {  	v50 =	vor.u32 s19, v3;
	[tilespmem:v46+s10+$0x0] =	vst.idx.msk $0xffff, v45;
	v25 =	vor.u32 s15, v20;
	v26 =	vld.idx.msk [tilespmem:v47+s3+$0x0], $0xffff  }
0x8a: {  	v51 =	vor.u32 s21, v3;
	v19 =	vld.idx.msk [tilespmem:v19+s3+$0x0], $0xffff;
	[tilespmem:v31+s10+$0x0] =	vst.idx.msk $0xffff, v16;
	v16 =	vor.u32 s19, v18  }
0x8b: {  	v28 =	vld.idx.msk [tilespmem:v28+s3+$0x0], $0xffff;
	v31 =	vor.u32 s18, v3;
	[tilespmem:v29+s10+$0x0] =	vst.idx.msk $0xffff, v21;
	v21 =	vor.u32 s21, v18  }
0x8c: {  	[tilespmem:v30+s10+$0x0] =	vst.idx.msk $0xffff, v48;
	v30 =	vor.u32 s20, v3;
	v29 =	vor.u32 s18, v18;
	v17 =	vld.idx.msk [tilespmem:v17+s3+$0x0], $0xffff  }
0x8d: {  	v53 =	vor.u32 s16, v5;
	v52 =	vld.idx.msk [tilespmem:v49+s3+$0x0], $0xffff;
	[tilespmem:v27+s10+$0x0] =	vst.idx.msk $0xffff, v33;
	v18 =	vor.u32 s20, v18  }
0x8e: {  	v54 =	vor.u32 s15, v5;
	v27 =	vor.u32 s16, v22;
	v25 =	vld.idx.msk [tilespmem:v25+s3+$0x0], $0xffff;
	[tilespmem:v50+s10+$0x0] =	vst.idx.msk $0xffff, v26  }
0x8f: {  	v26 =	vor.u32 s17, v23;
	[tilespmem:v51+s10+$0x0] =	vst.idx.msk $0xffff, v19;
	v19 =	vor.u32 s19, v4;
	v16 =	vld.idx.msk [tilespmem:v16+s3+$0x0], $0xffff  }
0x90: {  	[tilespmem:v31+s10+$0x0] =	vst.idx.msk $0xffff, v28;
	v28 =	vor.u32 s19, v20;
	v31 =	vor.u32 s21, v4;
	v21 =	vld.idx.msk [tilespmem:v21+s3+$0x0], $0xffff  }
0x91: {  	v55 =	vor.u32 s18, v4;
	v29 =	vld.idx.msk [tilespmem:v29+s3+$0x0], $0xffff;
	[tilespmem:v30+s10+$0x0] =	vst.idx.msk $0xffff, v17;
	v17 =	vor.u32 s21, v20  }
0x92: {  	v56 =	vor.u32 s20, v4;
	[tilespmem:v53+s10+$0x0] =	vst.idx.msk $0xffff, v52;
	v30 =	vor.u32 s18, v20;
	v18 =	vld.idx.msk [tilespmem:v18+s3+$0x0], $0xffff  }
0x93: {  	v57 =	vor.u32 s16, v6;
	v27 =	vld.idx.msk [tilespmem:v27+s3+$0x0], $0xffff;
	v20 =	vor.u32 s20, v20;
	[tilespmem:v54+s10+$0x0] =	vst.idx.msk $0xffff, v25  }
0x94: {  	v58 =	vor.u32 s17, v7;
	v25 =	vor.u32 s15, v22;
	v26 =	vld.idx.msk [tilespmem:v26+s3+$0x0], $0xffff;
	[tilespmem:v19+s10+$0x0] =	vst.idx.msk $0xffff, v16  }
0x95: {  	v16 =	vor.u32 s16, v23;
	[tilespmem:v31+s10+$0x0] =	vst.idx.msk $0xffff, v21;
	v19 =	vld.idx.msk [tilespmem:v28+s3+$0x0], $0xffff  }
0x96: {  	[tilespmem:v55+s10+$0x0] =	vst.idx.msk $0xffff, v29;
	v21 =	vor.u32 s19, v22;
	v17 =	vld.idx.msk [tilespmem:v17+s3+$0x0], $0xffff;
	v28 =	vor.u32 s21, v5  }
0x97: {  	v31 =	vor.u32 s21, v22;
	v29 =	vld.idx.msk [tilespmem:v30+s3+$0x0], $0xffff;
	v30 =	vor.u32 s18, v5;
	[tilespmem:v56+s10+$0x0] =	vst.idx.msk $0xffff, v18  }
0x98: {  	[tilespmem:v57+s10+$0x0] =	vst.idx.msk $0xffff, v27;
	v27 =	vor.u32 s20, v5;
	v18 =	vor.u32 s18, v22;
	v20 =	vld.idx.msk [tilespmem:v20+s3+$0x0], $0xffff  }
0x99: {  	v59 =	vor.u32 s15, v6;
	v22 =	vor.u32 s20, v22;
	v25 =	vld.idx.msk [tilespmem:v25+s3+$0x0], $0xffff;
	[tilespmem:v58+s10+$0x0] =	vst.idx.msk $0xffff, v26  }
0x9a: {  	v60 =	vor.u32 s16, v7;
	v26 =	vor.u32 s14, v23;
	v16 =	vld.idx.msk [tilespmem:v16+s3+$0x0], $0xffff;
	[tilespmem:v24+s10+$0x0] =	vst.idx.msk $0xffff, v19  }
0x9b: {  	v19 =	vor.u32 s15, v23;
	v24 =	vor.u32 s19, v6;
	[tilespmem:v28+s10+$0x0] =	vst.idx.msk $0xffff, v17;
	v21 =	vld.idx.msk [tilespmem:v21+s3+$0x0], $0xffff  }
0x9c: {  	[tilespmem:v30+s10+$0x0] =	vst.idx.msk $0xffff, v29;
	v17 =	vor.u32 s19, v23;
	v29 =	vor.u32 s21, v6;
	v28 =	vld.idx.msk [tilespmem:v31+s3+$0x0], $0xffff  }
0x9d: {  	v30 =	vor.u32 s18, v6;
	v18 =	vld.idx.msk [tilespmem:v18+s3+$0x0], $0xffff;
	v31 =	vor.u32 s21, v23;
	[tilespmem:v27+s10+$0x0] =	vst.idx.msk $0xffff, v20  }
0x9e: {  	[tilespmem:v59+s10+$0x0] =	vst.idx.msk $0xffff, v25;
	v20 =	vor.u32 s18, v23;
	v25 =	vor.u32 s20, v6;
	v22 =	vld.idx.msk [tilespmem:v22+s3+$0x0], $0xffff  }
0x9f: {  	v27 =	vor.u32 s14, v7;
	v26 =	vld.idx.msk [tilespmem:v26+s3+$0x0], $0xffff;
	[tilespmem:v60+s10+$0x0] =	vst.idx.msk $0xffff, v16;
	v16 =	vor.u32 s20, v23  }
0xa0: {  	v23 =	vor.u32 s15, v7;
	v19 =	vld.idx.msk [tilespmem:v19+s3+$0x0], $0xffff;
	[tilespmem:v24+s10+$0x0] =	vst.idx.msk $0xffff, v21  }
0xa1: {  	v21 =	vor.u32 s19, v7;
	[tilespmem:v29+s10+$0x0] =	vst.idx.msk $0xffff, v28;
	v17 =	vld.idx.msk [tilespmem:v17+s3+$0x0], $0xffff  }
0xa2: {  	[tilespmem:v30+s10+$0x0] =	vst.idx.msk $0xffff, v18;
	v24 =	vor.u32 s21, v7;
	v18 =	vld.idx.msk [tilespmem:v31+s3+$0x0], $0xffff  }
0xa3: {  	v28 =	vor.u32 s18, v7;
	v20 =	vld.idx.msk [tilespmem:v20+s3+$0x0], $0xffff;
	[tilespmem:v25+s10+$0x0] =	vst.idx.msk $0xffff, v22  }
0xa4: {  	[tilespmem:v27+s10+$0x0] =	vst.idx.msk $0xffff, v26;
	v22 =	vor.u32 s20, v7;
	v16 =	vld.idx.msk [tilespmem:v16+s3+$0x0], $0xffff  }
0xa5: {  	[tilespmem:v23+s10+$0x0] =	vst.idx.msk $0xffff, v19  }
0xa6: {  	[tilespmem:v21+s10+$0x0] =	vst.idx.msk $0xffff, v17  }
0xa7: {  	[tilespmem:v24+s10+$0x0] =	vst.idx.msk $0xffff, v18  }
0xa8: {  	[tilespmem:v28+s10+$0x0] =	vst.idx.msk $0xffff, v20  }
0xa9: {  	s22 =	simm.s32 $0x0;
	[tilespmem:v22+s10+$0x0] =	vst.idx.msk $0xffff, v16  }
0xaa: {  	[hbm4b:s5+s22] =	stream.linear.scatter [tilespmem:s10], [sflag:$0x1], $0x8000, $0x38;
	[tilespmem:$0x14100] =	vst v63  }
0xab: {  	v16 =	vld [tilespmem:$0x4080];
	_ =	sdelay $0x4  }
0xac: {  	v16 =	vshll.u32 v16, $0x8  }
0xad: {  	s25 =	simm.s32 $0x3;
	v17 =	vld [tilespmem:$0x4090];
	v18 =	vor.u32 s22, v16  }
0xae: {  	s23 =	simm.s32 $0x1;
	v20 =	vld [tilespmem:$0x40A0];
	v21 =	vor.u32 s25, v16  }
0xaf: {  	v22 =	vld [tilespmem:$0x40B0];
	v23 =	vor.u32 s23, v16  }
0xb0: {  	v24 =	vld [tilespmem:$0x40C0]  }
0xb1: {  	s15 =	simm.s32 $0x6;
	v25 =	vld [tilespmem:$0x40D0]  }
0xb2: {  	v19 =	vshll.u32 v17, $0x8;
	v17 =	vor.u32 s22, v8;
	v44 =	vor.u32 s15, v16;
	v18 =	vld.idx.msk [tilespmem:v18+s3+$0x0], $0xffff  }
0xb3: {  	v27 =	vor.u32 s25, v8;
	v26 =	vor.u32 s22, v19;
	v28 =	vld.idx.msk [tilespmem:v21+s3+$0x0], $0xffff  }
0xb4: {  	v29 =	vor.u32 s23, v8;
	v30 =	vor.u32 s25, v19;
	v31 =	vld.idx.msk [tilespmem:v23+s3+$0x0], $0xffff  }
0xb5: {  	s24 =	simm.s32 $0x2;
	v32 =	vld [tilespmem:$0x40E0];
	v61 =	vor.u32 s23, v19  }
0xb6: {  	v62 =	vor.u32 s24, v16;
	v23 =	vld [tilespmem:$0x40F0]  }
0xb7: {  	v48 =	vor.u32 s15, v8;
	v49 =	vld.idx.msk [tilespmem:v44+s3+$0x0], $0xffff;
	[tilespmem:v17+s10+$0x0] =	vst.idx.msk $0xffff, v18  }
0xb8: {  	v21 =	vshll.u32 v20, $0x8;
	[tilespmem:v27+s10+$0x0] =	vst.idx.msk $0xffff, v28;
	v18 =	vor.u32 s22, v9;
	v17 =	vld.idx.msk [tilespmem:v26+s3+$0x0], $0xffff  }
0xb9: {  	v20 =	vor.u32 s22, v21;
	[tilespmem:v29+s10+$0x0] =	vst.idx.msk $0xffff, v31;
	v27 =	vor.u32 s25, v9;
	v26 =	vld.idx.msk [tilespmem:v30+s3+$0x0], $0xffff  }
0xba: {  	v28 =	vor.u32 s25, v21;
	v29 =	vld.idx.msk [tilespmem:v61+s3+$0x0], $0xffff;
	v30 =	vor.u32 s23, v9  }
0xbb: {  	v63 =	vld.idx.msk [tilespmem:v62+s3+$0x0], $0xffff;
	v40 =	vor.u32 s23, v21;
	v31 =	vor.u32 s24, v8  }
0xbc: {  	v50 =	vor.u32 s15, v19;
	[tilespmem:v48+s10+$0x0] =	vst.idx.msk $0xffff, v49  }
0xbd: {  	s14 =	simm.s32 $0x4;
	v41 =	vor.u32 s24, v19;
	[tilespmem:v18+s10+$0x0] =	vst.idx.msk $0xffff, v17  }
0xbe: {  	v18 =	vor.u32 s14, v16;
	v17 =	vshll.u32 v22, $0x8;
	v22 =	vor.u32 s22, v10;
	[tilespmem:v27+s10+$0x0] =	vst.idx.msk $0xffff, v26;
	v20 =	vld.idx.msk [tilespmem:v20+s3+$0x0], $0xffff  }
0xbf: {  	[tilespmem:v30+s10+$0x0] =	vst.idx.msk $0xffff, v29;
	v27 =	vor.u32 s25, v10;
	v26 =	vld.idx.msk [tilespmem:v28+s3+$0x0], $0xffff;
	v28 =	vor.u32 s22, v17  }
0xc0: {  	s17 =	simm.s32 $0x7;
	[tilespmem:v31+s10+$0x0] =	vst.idx.msk $0xffff, v63;
	v30 =	vor.u32 s23, v10;
	v29 =	vld.idx.msk [tilespmem:v40+s3+$0x0], $0xffff;
	v31 =	vor.u32 s25, v17  }
0xc1: {  	v42 =	vor.u32 s17, v16;
	v35 =	vld.idx.msk [tilespmem:v50+s3+$0x0], $0xffff  }
0xc2: {  	s16 =	simm.s32 $0x5;
	v33 =	vld.idx.msk [tilespmem:v41+s3+$0x0], $0xffff;
	v43 =	vor.u32 s23, v17  }
0xc3: {  	v45 =	vor.u32 s24, v9;
	v38 =	vld.idx.msk [tilespmem:v18+s3+$0x0], $0xffff;
	v18 =	vshll.u32 v24, $0x8;
	v24 =	vor.u32 s16, v16;
	[tilespmem:v22+s10+$0x0] =	vst.idx.msk $0xffff, v20  }
0xc4: {  	v20 =	vor.u32 s24, v21;
	[tilespmem:v27+s10+$0x0] =	vst.idx.msk $0xffff, v26;
	v27 =	vor.u32 s22, v11;
	v26 =	vld.idx.msk [tilespmem:v28+s3+$0x0], $0xffff  }
0xc5: {  	[tilespmem:v30+s10+$0x0] =	vst.idx.msk $0xffff, v29;
	v29 =	vor.u32 s25, v11;
	v30 =	vor.u32 s22, v18;
	v28 =	vld.idx.msk [tilespmem:v31+s3+$0x0], $0xffff  }
0xc6: {  	s18 =	simm.s32 $0x8;
	v22 =	vld.idx.msk [tilespmem:v42+s3+$0x0], $0xffff;
	v46 =	vor.u32 s25, v18;
	v31 =	vor.u32 s14, v8  }
0xc7: {  	v58 =	vor.u32 s23, v11;
	v50 =	vor.u32 s18, v16;
	v34 =	vld.idx.msk [tilespmem:v43+s3+$0x0], $0xffff  }
0xc8: {  	v52 =	vor.u32 s16, v8;
	v47 =	vor.u32 s14, v19;
	[tilespmem:v45+s10+$0x0] =	vst.idx.msk $0xffff, v33;
	v24 =	vld.idx.msk [tilespmem:v24+s3+$0x0], $0xffff  }
0xc9: {  	v51 =	vor.u32 s24, v10;
	v60 =	vor.u32 s23, v18;
	v37 =	vld.idx.msk [tilespmem:v20+s3+$0x0], $0xffff;
	[tilespmem:v27+s10+$0x0] =	vst.idx.msk $0xffff, v26  }
0xca: {  	v53 =	vor.u32 s17, v8;
	v26 =	vor.u32 s24, v17;
	[tilespmem:v29+s10+$0x0] =	vst.idx.msk $0xffff, v28;
	v28 =	vld.idx.msk [tilespmem:v30+s3+$0x0], $0xffff  }
0xcb: {  	v27 =	vor.u32 s16, v19;
	[tilespmem:v31+s10+$0x0] =	vst.idx.msk $0xffff, v38;
	v29 =	vld.idx.msk [tilespmem:v46+s3+$0x0], $0xffff;
	v30 =	vor.u32 s25, v12  }
0xcc: {  	v54 =	vor.u32 s22, v12;
	v39 =	vld.idx.msk [tilespmem:v50+s3+$0x0], $0xffff;
	v20 =	vshll.u32 v25, $0x8;
	v25 =	vor.u32 s17, v19;
	[tilespmem:v58+s10+$0x0] =	vst.idx.msk $0xffff, v34  }
0xcd: {  	v56 =	vor.u32 s14, v9;
	v55 =	vor.u32 s25, v20;
	v31 =	vld.idx.msk [tilespmem:v47+s3+$0x0], $0xffff;
	[tilespmem:v52+s10+$0x0] =	vst.idx.msk $0xffff, v24  }
0xce: {  	s20 =	simm.s32 $0xA;
	v57 =	vor.u32 s22, v20;
	v49 =	vld.idx.msk [tilespmem:v60+s3+$0x0], $0xffff;
	v52 =	vor.u32 s15, v9;
	[tilespmem:v51+s10+$0x0] =	vst.idx.msk $0xffff, v37  }
0xcf: {  	v59 =	vor.u32 s24, v11;
	[tilespmem:v53+s10+$0x0] =	vst.idx.msk $0xffff, v22;
	v60 =	vor.u32 s20, v16;
	v24 =	vld.idx.msk [tilespmem:v26+s3+$0x0], $0xffff  }
0xd0: {  	v61 =	vor.u32 s16, v9;
	v26 =	vor.u32 s14, v21;
	v27 =	vld.idx.msk [tilespmem:v27+s3+$0x0], $0xffff;
	[tilespmem:v30+s10+$0x0] =	vst.idx.msk $0xffff, v29  }
0xd1: {  	v62 =	vor.u32 s24, v18;
	v25 =	vld.idx.msk [tilespmem:v25+s3+$0x0], $0xffff;
	[tilespmem:v54+s10+$0x0] =	vst.idx.msk $0xffff, v28;
	v29 =	vor.u32 s17, v9  }
0xd2: {  	v51 =	vor.u32 s23, v12;
	v28 =	vor.u32 s16, v21;
	[tilespmem:v56+s10+$0x0] =	vst.idx.msk $0xffff, v31;
	v30 =	vld.idx.msk [tilespmem:v55+s3+$0x0], $0xffff  }
0xd3: {  	v63 =	vor.u32 s25, v13;
	v45 =	vor.u32 s17, v21;
	v22 =	vshll.u32 v32, $0x8;
	v31 =	vld.idx.msk [tilespmem:v57+s3+$0x0], $0xffff;
	[tilespmem:v52+s10+$0x0] =	vst.idx.msk $0xffff, v35  }
0xd4: {  	v46 =	vor.u32 s22, v13;
	v47 =	vor.u32 s25, v22;
	v35 =	vld.idx.msk [tilespmem:v60+s3+$0x0], $0xffff;
	[tilespmem:v59+s10+$0x0] =	vst.idx.msk $0xffff, v24  }
0xd5: {  	v48 =	vor.u32 s22, v22;
	v26 =	vld.idx.msk [tilespmem:v26+s3+$0x0], $0xffff;
	v24 =	vor.u32 s14, v10;
	[tilespmem:v61+s10+$0x0] =	vst.idx.msk $0xffff, v27  }
0xd6: {  	s19 =	simm.s32 $0xB;
	v61 =	vor.u32 s18, v8;
	v27 =	vld.idx.msk [tilespmem:v62+s3+$0x0], $0xffff;
	[tilespmem:v29+s10+$0x0] =	vst.idx.msk $0xffff, v25;
	v25 =	vor.u32 s23, v20  }
0xd7: {  	v53 =	vor.u32 s16, v10;
	[tilespmem:v51+s10+$0x0] =	vst.idx.msk $0xffff, v49;
	v28 =	vld.idx.msk [tilespmem:v28+s3+$0x0], $0xffff;
	v29 =	vor.u32 s19, v16  }
0xd8: {  	v55 =	vor.u32 s24, v12;
	v51 =	vor.u32 s18, v19;
	v33 =	vld.idx.msk [tilespmem:v45+s3+$0x0], $0xffff;
	[tilespmem:v63+s10+$0x0] =	vst.idx.msk $0xffff, v30  }
0xd9: {  	v54 =	vor.u32 s17, v10;
	v30 =	vor.u32 s16, v17;
	[tilespmem:v46+s10+$0x0] =	vst.idx.msk $0xffff, v31;
	v31 =	vld.idx.msk [tilespmem:v47+s3+$0x0], $0xffff  }
0xda: {  	v56 =	vor.u32 s25, v14;
	v57 =	vor.u32 s17, v17;
	[tilespmem:v24+s10+$0x0] =	vst.idx.msk $0xffff, v26;
	v26 =	vld.idx.msk [tilespmem:v48+s3+$0x0], $0xffff  }
0xdb: {  	v58 =	vor.u32 s22, v14;
	v24 =	vor.u32 s14, v17;
	[tilespmem:v61+s10+$0x0] =	vst.idx.msk $0xffff, v39;
	v25 =	vld.idx.msk [tilespmem:v25+s3+$0x0], $0xffff  }
0xdc: {  	s21 =	simm.s32 $0x9;
	v59 =	vor.u32 s24, v20;
	v29 =	vld.idx.msk [tilespmem:v29+s3+$0x0], $0xffff;
	[tilespmem:v53+s10+$0x0] =	vst.idx.msk $0xffff, v28;
	v28 =	vor.u32 s23, v13  }
0xdd: {  	v23 =	vshll.u32 v23, $0x8;
	v52 =	vor.u32 s19, v8;
	v63 =	vor.u32 s21, v16;
	[tilespmem:v55+s10+$0x0] =	vst.idx.msk $0xffff, v27;
	v39 =	vld.idx.msk [tilespmem:v51+s3+$0x0], $0xffff  }
0xde: {  	v45 =	vor.u32 s16, v11;
	v53 =	vor.u32 s22, v23;
	v30 =	vld.idx.msk [tilespmem:v30+s3+$0x0], $0xffff;
	[tilespmem:v54+s10+$0x0] =	vst.idx.msk $0xffff, v33  }
0xdf: {  	v62 =	vor.u32 s23, v22;
	v48 =	vor.u32 s17, v11;
	v46 =	vld.idx.msk [tilespmem:v57+s3+$0x0], $0xffff;
	[tilespmem:v56+s10+$0x0] =	vst.idx.msk $0xffff, v31  }
0xe0: {  	v27 =	vor.u32 s14, v11;
	v31 =	vor.u32 s25, v23;
	v24 =	vld.idx.msk [tilespmem:v24+s3+$0x0], $0xffff;
	[tilespmem:v58+s10+$0x0] =	vst.idx.msk $0xffff, v26  }
0xe1: {  	v49 =	vor.u32 s24, v13;
	v47 =	vor.u32 s15, v21;
	v26 =	vld.idx.msk [tilespmem:v59+s3+$0x0], $0xffff;
	[tilespmem:v28+s10+$0x0] =	vst.idx.msk $0xffff, v25  }
0xe2: {  	v50 =	vor.u32 s14, v18;
	v33 =	vld.idx.msk [tilespmem:v63+s3+$0x0], $0xffff;
	v25 =	vor.u32 s20, v8;
	[tilespmem:v52+s10+$0x0] =	vst.idx.msk $0xffff, v29  }
0xe3: {  	v28 =	vor.u32 s24, v22;
	v29 =	vld.idx.msk [tilespmem:v53+s3+$0x0], $0xffff;
	[tilespmem:v45+s10+$0x0] =	vst.idx.msk $0xffff, v30;
	v30 =	vor.u32 s21, v8  }
0xe4: {  	v54 =	vor.u32 s23, v14;
	v57 =	vor.u32 s20, v19;
	v32 =	vld.idx.msk [tilespmem:v62+s3+$0x0], $0xffff;
	[tilespmem:v48+s10+$0x0] =	vst.idx.msk $0xffff, v46  }
0xe5: {  	v46 =	vor.u32 s18, v9;
	[tilespmem:v27+s10+$0x0] =	vst.idx.msk $0xffff, v24;
	v24 =	vor.u32 s17, v18;
	v27 =	vld.idx.msk [tilespmem:v31+s3+$0x0], $0xffff  }
0xe6: {  	v56 =	vor.u32 s23, v23;
	v31 =	vld.idx.msk [tilespmem:v47+s3+$0x0], $0xffff;
	[tilespmem:v49+s10+$0x0] =	vst.idx.msk $0xffff, v26;
	v26 =	vor.u32 s25, v15  }
0xe7: {  	v63 =	vor.u32 s21, v19;
	v55 =	vld.idx.msk [tilespmem:v50+s3+$0x0], $0xffff;
	[tilespmem:v25+s10+$0x0] =	vst.idx.msk $0xffff, v35;
	v25 =	vor.u32 s15, v10  }
0xe8: {  	v59 =	vor.u32 s24, v14;
	v47 =	vor.u32 s19, v19;
	v58 =	vld.idx.msk [tilespmem:v28+s3+$0x0], $0xffff;
	[tilespmem:v30+s10+$0x0] =	vst.idx.msk $0xffff, v33  }
0xe9: {  	v44 =	vor.u32 s15, v11;
	v60 =	vor.u32 s15, v17;
	v62 =	vor.u32 s14, v12;
	[tilespmem:v54+s10+$0x0] =	vst.idx.msk $0xffff, v32;
	v28 =	vld.idx.msk [tilespmem:v57+s3+$0x0], $0xffff  }
0xea: {  	v36 =	vor.u32 s24, v15;
	v61 =	vor.u32 s24, v23;
	v48 =	vor.u32 s17, v12;
	[tilespmem:v46+s10+$0x0] =	vst.idx.msk $0xffff, v39;
	v45 =	vld.idx.msk [tilespmem:v24+s3+$0x0], $0xffff  }
0xeb: {  	v51 =	vor.u32 s23, v15;
	v50 =	vor.u32 s17, v20;
	v49 =	vld.idx.msk [tilespmem:v56+s3+$0x0], $0xffff;
	[tilespmem:v26+s10+$0x0] =	vst.idx.msk $0xffff, v27  }
0xec: {  	v41 =	vor.u32 s19, v9;
	v42 =	vor.u32 s14, v20;
	v34 =	vld.idx.msk [tilespmem:v63+s3+$0x0], $0xffff;
	[tilespmem:v25+s10+$0x0] =	vst.idx.msk $0xffff, v31  }
0xed: {  	v40 =	vor.u32 s22, v15;
	v43 =	vor.u32 s21, v9;
	v38 =	vor.u32 s21, v21;
	v33 =	vld.idx.msk [tilespmem:v47+s3+$0x0], $0xffff;
	[tilespmem:v59+s10+$0x0] =	vst.idx.msk $0xffff, v58  }
0xee: {  	v35 =	vor.u32 s18, v21;
	v39 =	vor.u32 s16, v18;
	[tilespmem:v62+s10+$0x0] =	vst.idx.msk $0xffff, v55;
	v30 =	vld.idx.msk [tilespmem:v60+s3+$0x0], $0xffff  }
0xef: {  	v26 =	vor.u32 s17, v13;
	v27 =	vor.u32 s14, v14;
	v32 =	vld.idx.msk [tilespmem:v61+s3+$0x0], $0xffff;
	[tilespmem:v48+s10+$0x0] =	vst.idx.msk $0xffff, v45  }
0xf0: {  	s22 =	simm.s32 $0xC;
	v24 =	vor.u32 s19, v13;
	v25 =	vor.u32 s19, v21;
	v31 =	vor.u32 s15, v18;
	[tilespmem:v51+s10+$0x0] =	vst.idx.msk $0xffff, v49;
	v37 =	vld.idx.msk [tilespmem:v50+s3+$0x0], $0xffff  }
.LBB2_4:
0xf1: {  	v45 =	vor.u32 s22, v16;
	s25 =	sadd.s32 $0x1, s22;
	v42 =	vld.idx.msk [tilespmem:v42+s3+$0x0], $0xffff;
	v46 =	vor.u32 s14, v13  }
0xf2: {  	p0 =	slt.u32 s22, $0xFC;
	v47 =	vor.u32 s17, v14;
	[tilespmem:v40+s10+$0x0] =	vst.idx.msk $0xffff, v29;
	s24 =	smov.u32 s22;
	s22 =	sadd.s32 $0x4, s22;
	v40 =	vor.u32 s16, v12;
	v48 =	vor.u32 s18, v10  }
0xf3: {  	v29 =	vor.u32 s25, v16;
	s23 =	sadd.s32 $0x2, s24;
	v35 =	vld.idx.msk [tilespmem:v35+s3+$0x0], $0xffff;
	[tilespmem:v44+s10+$0x0] =	vst.idx.msk $0xffff, v30;
	v30 =	vor.u32 s17, v22  }
0xf4: {  	v49 =	vor.u32 s14, v22;
	s26 =	sadd.s32 $0x3, s24;
	v44 =	vor.u32 s23, v16;
	v39 =	vld.idx.msk [tilespmem:v39+s3+$0x0], $0xffff;
	[tilespmem:v36+s10+$0x0] =	vst.idx.msk $0xffff, v32  }
0xf5: {  	v32 =	vor.u32 s26, v16;
	v36 =	vor.u32 s26, v21;
	v50 =	vor.u32 s26, v13;
	[tilespmem:v43+s10+$0x0] =	vst.idx.msk $0xffff, v34;
	v31 =	vld.idx.msk [tilespmem:v31+s3+$0x0], $0xffff  }
0xf6: {  	v52 =	vor.u32 s15, v12;
	v43 =	vor.u32 s21, v17;
	v34 =	vld.idx.msk [tilespmem:v38+s3+$0x0], $0xffff  }
0xf7: {  	v38 =	vor.u32 s20, v9;
	[tilespmem:v41+s10+$0x0] =	vst.idx.msk $0xffff, v33;
	v33 =	vor.u32 s16, v20;
	v41 =	vor.u32 s21, v10  }
0xf8: {  	v53 =	vor.u32 s19, v17;
	v51 =	vld.idx.msk [tilespmem:v25+s3+$0x0], $0xffff;
	[tilespmem:v26+s10+$0x0] =	vst.idx.msk $0xffff, v37;
	v25 =	vmovc v36;
	v36 =	vor.u32 s24, v8;
	v37 =	vor.u32 s19, v10  }
0xf9: {  	v26 =	vmovc v24;
	v24 =	vmov v50;
	v50 =	vor.u32 s23, v8;
	[tilespmem:v46+s10+$0x0] =	vst.idx.msk $0xffff, v42;
	v30 =	vld.idx.msk [tilespmem:v30+s3+$0x0], $0xffff;
	v42 =	vor.u32 s24, v19  }
0xfa: {  	v46 =	vor.u32 s25, v8;
	[tilespmem:v48+s10+$0x0] =	vst.idx.msk $0xffff, v35;
	v35 =	vor.u32 s18, v17;
	v48 =	vld.idx.msk [tilespmem:v49+s3+$0x0], $0xffff  }
0xfb: {  	v49 =	vor.u32 s25, v19;
	v45 =	vld.idx.msk [tilespmem:v45+s3+$0x0], $0xffff;
	[tilespmem:v40+s10+$0x0] =	vst.idx.msk $0xffff, v39;
	v39 =	vor.u32 s15, v20  }
0xfc: {  	v54 =	vor.u32 s26, v8;
	v40 =	vor.u32 s23, v19;
	[tilespmem:v38+s10+$0x0] =	vst.idx.msk $0xffff, v28;
	v28 =	vld.idx.msk [tilespmem:v33+s3+$0x0], $0xffff  }
0xfd: {  	v33 =	vor.u32 s26, v19;
	v32 =	vld.idx.msk [tilespmem:v32+s3+$0x0], $0xffff;
	[tilespmem:v41+s10+$0x0] =	vst.idx.msk $0xffff, v34;
	v34 =	vor.u32 s16, v13  }
0xfe: {  	v38 =	vld.idx.msk [tilespmem:v43+s3+$0x0], $0xffff;
	[tilespmem:v37+s10+$0x0] =	vst.idx.msk $0xffff, v51;
	v37 =	vor.u32 s16, v22  }
0xff: {  	v41 =	vor.u32 s21, v11;
	v51 =	vor.u32 s19, v11;
	v35 =	vld.idx.msk [tilespmem:v35+s3+$0x0], $0xffff;
	[tilespmem:v52+s10+$0x0] =	vst.idx.msk $0xffff, v31  }
0x100: {  	v31 =	vor.u32 s18, v11;
	v43 =	vld.idx.msk [tilespmem:v53+s3+$0x0], $0xffff;
	[tilespmem:v47+s10+$0x0] =	vst.idx.msk $0xffff, v30;
	v30 =	vor.u32 s17, v23  }
0x101: {  	v47 =	vor.u32 s20, v21;
	[tilespmem:v27+s10+$0x0] =	vst.idx.msk $0xffff, v48;
	v27 =	vld.idx.msk [tilespmem:v39+s3+$0x0], $0xffff;
	v39 =	vor.u32 s15, v13  }
0x102: {  	v48 =	vor.u32 s18, v18;
	v44 =	vld.idx.msk [tilespmem:v44+s3+$0x0], $0xffff;
	[tilespmem:v34+s10+$0x0] =	vst.idx.msk $0xffff, v28;
	v28 =	vor.u32 s15, v22  }
0x103: {  	[tilespmem:v36+s10+$0x0] =	vst.idx.msk $0xffff, v45;
	v34 =	vld.idx.msk [tilespmem:v37+s3+$0x0], $0xffff  }
0x104: {  	v29 =	vld.idx.msk [tilespmem:v29+s3+$0x0], $0xffff;
	[tilespmem:v41+s10+$0x0] =	vst.idx.msk $0xffff, v38  }
0x105: {  	[tilespmem:v31+s10+$0x0] =	vst.idx.msk $0xffff, v35;
	v31 =	vor.u32 s19, v18;
	v30 =	vld.idx.msk [tilespmem:v30+s3+$0x0], $0xffff  }
0x106: {  	v36 =	vor.u32 s14, v23;
	v37 =	vor.u32 s16, v14;
	v35 =	vld.idx.msk [tilespmem:v47+s3+$0x0], $0xffff;
	[tilespmem:v51+s10+$0x0] =	vst.idx.msk $0xffff, v43  }
0x107: {  	v41 =	vor.u32 s16, v23;
	v38 =	vld.idx.msk [tilespmem:v48+s3+$0x0], $0xffff;
	[tilespmem:v39+s10+$0x0] =	vst.idx.msk $0xffff, v27;
	v27 =	vor.u32 s17, v15;
	s17 =	smov.u32 s19;
	s19 =	smov.u32 s26  }
0x108: {  	v39 =	vor.u32 s20, v10;
	[tilespmem:v50+s10+$0x0] =	vst.idx.msk $0xffff, v44;
	v43 =	vld.idx.msk [tilespmem:v28+s3+$0x0], $0xffff;
	v44 =	vor.u32 s15, v14  }
0x109: {  	v47 =	vor.u32 s15, v23;
	v45 =	vld.idx.msk [tilespmem:v42+s3+$0x0], $0xffff;
	[tilespmem:v54+s10+$0x0] =	vst.idx.msk $0xffff, v32;
	v32 =	vor.u32 s20, v17  }
0x10a: {  	[tilespmem:v46+s10+$0x0] =	vst.idx.msk $0xffff, v29;
	v46 =	vor.u32 s18, v12;
	v48 =	vld.idx.msk [tilespmem:v31+s3+$0x0], $0xffff  }
0x10b: {  	v31 =	vor.u32 s24, v9;
	v29 =	vld.idx.msk [tilespmem:v36+s3+$0x0], $0xffff;
	[tilespmem:v37+s10+$0x0] =	vst.idx.msk $0xffff, v34  }
0x10c: {  	v52 =	vor.u32 s16, v15;
	v37 =	vor.u32 s17, v12;
	v50 =	vld.idx.msk [tilespmem:v41+s3+$0x0], $0xffff;
	[tilespmem:v27+s10+$0x0] =	vst.idx.msk $0xffff, v30  }
0x10d: {  	s16 =	smov.u32 s21;
	s21 =	smov.u32 s25;
	v51 =	vor.u32 s17, v20;
	v42 =	vor.u32 s18, v20;
	v28 =	vld.idx.msk [tilespmem:v40+s3+$0x0], $0xffff;
	[tilespmem:v39+s10+$0x0] =	vst.idx.msk $0xffff, v35  }
.Ltmp1:
0x10e: {  	v36 =	vor.u32 s15, v15;
	v40 =	vor.u32 s14, v15;
	s14 =	smov.u32 s18;
	s18 =	smov.u32 s24;
	v30 =	vld.idx.msk [tilespmem:v32+s3+$0x0], $0xffff;
	[tilespmem:v44+s10+$0x0] =	vst.idx.msk $0xffff, v43;
	(pc) =	sbr.rel @p0 .LBB2_4-.Ltmp1, $4  }
0x10f: {  	s15 =	smov.u32 s20;
	v35 =	vor.u32 s18, v21;
	v44 =	vor.u32 s20, v11;
	s20 =	smov.u32 s23;
	[tilespmem:v46+s10+$0x0] =	vst.idx.msk $0xffff, v38;
	v32 =	vld.idx.msk [tilespmem:v47+s3+$0x0], $0xffff  }
0x110: {  	v39 =	vor.u32 s16, v18;
	v27 =	vor.u32 s14, v14;
	[tilespmem:v31+s10+$0x0] =	vst.idx.msk $0xffff, v45;
	v34 =	vld.idx.msk [tilespmem:v49+s3+$0x0], $0xffff  }
0x111: {  	v43 =	vor.u32 s21, v9;
	v31 =	vor.u32 s15, v18;
	v33 =	vld.idx.msk [tilespmem:v33+s3+$0x0], $0xffff;
	[tilespmem:v37+s10+$0x0] =	vst.idx.msk $0xffff, v48  }
0x112: {  	v41 =	vor.u32 s19, v9;
	v38 =	vor.u32 s21, v21;
	v37 =	vld.idx.msk [tilespmem:v51+s3+$0x0], $0xffff;
	[tilespmem:v52+s10+$0x0] =	vst.idx.msk $0xffff, v50  }
0x113: {  	_ =	sdelay $0x3  }
0x114: {  	[tilespmem:v40+s10+$0x0] =	vst.idx.msk $0xffff, v29  }
0x115: {  	v16 =	vld.idx.msk [tilespmem:v42+s3+$0x0], $0xffff;
	v19 =	vor.u32 s14, v13;
	[tilespmem:v44+s10+$0x0] =	vst.idx.msk $0xffff, v30  }
0x116: {  	v51 =	vor.u32 s20, v9;
	[tilespmem:v36+s10+$0x0] =	vst.idx.msk $0xffff, v32  }
0x117: {  	v52 =	vld.idx.msk [tilespmem:v35+s3+$0x0], $0xffff;
	v53 =	vor.u32 s18, v10;
	v21 =	vor.u32 s20, v21;
	[tilespmem:v43+s10+$0x0] =	vst.idx.msk $0xffff, v34  }
0x118: {  	v54 =	vor.u32 s16, v12;
	v55 =	vor.u32 s17, v22;
	v56 =	vld.idx.msk [tilespmem:v39+s3+$0x0], $0xffff;
	[tilespmem:v41+s10+$0x0] =	vst.idx.msk $0xffff, v33  }
0x119: {  	v57 =	vor.u32 s14, v22;
	v60 =	vor.u32 s21, v10;
	v59 =	vld.idx.msk [tilespmem:v38+s3+$0x0], $0xffff;
	[tilespmem:v26+s10+$0x0] =	vst.idx.msk $0xffff, v37  }
0x11a: {  	v58 =	vor.u32 s19, v10;
	v40 =	vor.u32 s18, v17;
	v25 =	vld.idx.msk [tilespmem:v25+s3+$0x0], $0xffff;
	[tilespmem:v19+s10+$0x0] =	vst.idx.msk $0xffff, v16  }
0x11b: {  	v61 =	vor.u32 s19, v17;
	v63 =	vor.u32 s15, v12;
	v16 =	vld.idx.msk [tilespmem:v31+s3+$0x0], $0xffff;
	[tilespmem:v51+s10+$0x0] =	vst.idx.msk $0xffff, v28  }
0x11c: {  	v62 =	vor.u32 s21, v17;
	v41 =	vor.u32 s20, v10;
	[tilespmem:v53+s10+$0x0] =	vst.idx.msk $0xffff, v52;
	v21 =	vld.idx.msk [tilespmem:v21+s3+$0x0], $0xffff  }
0x11d: {  	v42 =	vor.u32 s17, v14;
	v17 =	vor.u32 s20, v17;
	v43 =	vld.idx.msk [tilespmem:v55+s3+$0x0], $0xffff;
	[tilespmem:v54+s10+$0x0] =	vst.idx.msk $0xffff, v56  }
0x11e: {  	v44 =	vor.u32 s16, v20;
	v33 =	vld.idx.msk [tilespmem:v57+s3+$0x0], $0xffff;
	[tilespmem:v60+s10+$0x0] =	vst.idx.msk $0xffff, v59  }
0x11f: {  	v45 =	vor.u32 s15, v20;
	v48 =	vor.u32 s18, v11;
	v28 =	vld.idx.msk [tilespmem:v40+s3+$0x0], $0xffff;
	[tilespmem:v58+s10+$0x0] =	vst.idx.msk $0xffff, v25  }
0x120: {  	v46 =	vor.u32 s19, v11;
	v50 =	vor.u32 s18, v18;
	v26 =	vld.idx.msk [tilespmem:v61+s3+$0x0], $0xffff;
	[tilespmem:v63+s10+$0x0] =	vst.idx.msk $0xffff, v16  }
0x121: {  	v47 =	vor.u32 s21, v11;
	v19 =	vld.idx.msk [tilespmem:v62+s3+$0x0], $0xffff;
	v16 =	vor.u32 s19, v18;
	[tilespmem:v41+s10+$0x0] =	vst.idx.msk $0xffff, v21  }
0x122: {  	v49 =	vor.u32 s21, v18;
	v51 =	vor.u32 s20, v11;
	[tilespmem:v42+s10+$0x0] =	vst.idx.msk $0xffff, v43;
	v17 =	vld.idx.msk [tilespmem:v17+s3+$0x0], $0xffff  }
0x123: {  	v53 =	vor.u32 s16, v13;
	v54 =	vor.u32 s20, v18;
	v52 =	vld.idx.msk [tilespmem:v44+s3+$0x0], $0xffff;
	[tilespmem:v27+s10+$0x0] =	vst.idx.msk $0xffff, v33  }
0x124: {  	v55 =	vor.u32 s16, v22;
	v56 =	vor.u32 s15, v13;
	v25 =	vld.idx.msk [tilespmem:v45+s3+$0x0], $0xffff;
	[tilespmem:v48+s10+$0x0] =	vst.idx.msk $0xffff, v28  }
0x125: {  	v57 =	vor.u32 s17, v23;
	v61 =	vor.u32 s18, v12;
	v29 =	vld.idx.msk [tilespmem:v50+s3+$0x0], $0xffff;
	[tilespmem:v46+s10+$0x0] =	vst.idx.msk $0xffff, v26  }
0x126: {  	v58 =	vor.u32 s19, v12;
	v62 =	vor.u32 s18, v20;
	[tilespmem:v47+s10+$0x0] =	vst.idx.msk $0xffff, v19;
	v16 =	vld.idx.msk [tilespmem:v16+s3+$0x0], $0xffff  }
0x127: {  	v59 =	vor.u32 s19, v20;
	v60 =	vor.u32 s21, v12;
	v21 =	vld.idx.msk [tilespmem:v49+s3+$0x0], $0xffff;
	[tilespmem:v51+s10+$0x0] =	vst.idx.msk $0xffff, v17  }
0x128: {  	v63 =	vor.u32 s20, v12;
	[tilespmem:v53+s10+$0x0] =	vst.idx.msk $0xffff, v52;
	v17 =	vor.u32 s21, v20;
	v18 =	vld.idx.msk [tilespmem:v54+s3+$0x0], $0xffff  }
0x129: {  	v36 =	vor.u32 s16, v14;
	v37 =	vor.u32 s20, v20;
	v27 =	vld.idx.msk [tilespmem:v55+s3+$0x0], $0xffff;
	[tilespmem:v56+s10+$0x0] =	vst.idx.msk $0xffff, v25  }
0x12a: {  	v39 =	vor.u32 s17, v15;
	v38 =	vor.u32 s15, v22;
	v26 =	vld.idx.msk [tilespmem:v57+s3+$0x0], $0xffff;
	[tilespmem:v61+s10+$0x0] =	vst.idx.msk $0xffff, v29  }
0x12b: {  	v42 =	vor.u32 s18, v13;
	v29 =	vld.idx.msk [tilespmem:v62+s3+$0x0], $0xffff;
	[tilespmem:v58+s10+$0x0] =	vst.idx.msk $0xffff, v16;
	v16 =	vor.u32 s16, v23  }
0x12c: {  	v44 =	vor.u32 s18, v22;
	[tilespmem:v60+s10+$0x0] =	vst.idx.msk $0xffff, v21;
	v19 =	vld.idx.msk [tilespmem:v59+s3+$0x0], $0xffff  }
0x12d: {  	v40 =	vor.u32 s19, v22;
	v41 =	vor.u32 s21, v13;
	v17 =	vld.idx.msk [tilespmem:v17+s3+$0x0], $0xffff;
	[tilespmem:v63+s10+$0x0] =	vst.idx.msk $0xffff, v18  }
0x12e: {  	v43 =	vor.u32 s21, v22;
	v45 =	vor.u32 s20, v13;
	[tilespmem:v36+s10+$0x0] =	vst.idx.msk $0xffff, v27;
	v20 =	vld.idx.msk [tilespmem:v37+s3+$0x0], $0xffff  }
0x12f: {  	v47 =	vor.u32 s20, v22;
	v46 =	vor.u32 s15, v14;
	v25 =	vld.idx.msk [tilespmem:v38+s3+$0x0], $0xffff;
	[tilespmem:v39+s10+$0x0] =	vst.idx.msk $0xffff, v26  }
0x130: {  	v48 =	vor.u32 s14, v23;
	v49 =	vor.u32 s16, v15;
	[tilespmem:v42+s10+$0x0] =	vst.idx.msk $0xffff, v29;
	v16 =	vld.idx.msk [tilespmem:v16+s3+$0x0], $0xffff  }
0x131: {  	v53 =	vor.u32 s18, v14;
	v50 =	vor.u32 s15, v23;
	v18 =	vld.idx.msk [tilespmem:v44+s3+$0x0], $0xffff;
	[tilespmem:v24+s10+$0x0] =	vst.idx.msk $0xffff, v19  }
0x132: {  	v55 =	vor.u32 s18, v23;
	v51 =	vor.u32 s19, v14;
	[tilespmem:v41+s10+$0x0] =	vst.idx.msk $0xffff, v17;
	v21 =	vld.idx.msk [tilespmem:v40+s3+$0x0], $0xffff  }
0x133: {  	v52 =	vor.u32 s21, v14;
	v17 =	vor.u32 s19, v23;
	v28 =	vld.idx.msk [tilespmem:v43+s3+$0x0], $0xffff;
	[tilespmem:v45+s10+$0x0] =	vst.idx.msk $0xffff, v20  }
0x134: {  	v56 =	vor.u32 s20, v14;
	v54 =	vor.u32 s21, v23;
	[tilespmem:v46+s10+$0x0] =	vst.idx.msk $0xffff, v25;
	v22 =	vld.idx.msk [tilespmem:v47+s3+$0x0], $0xffff  }
0x135: {  	v57 =	vor.u32 s14, v15;
	v26 =	vld.idx.msk [tilespmem:v48+s3+$0x0], $0xffff;
	[tilespmem:v49+s10+$0x0] =	vst.idx.msk $0xffff, v16;
	v16 =	vor.u32 s20, v23  }
0x136: {  	v58 =	vor.u32 s15, v15;
	v19 =	vld.idx.msk [tilespmem:v50+s3+$0x0], $0xffff;
	[tilespmem:v53+s10+$0x0] =	vst.idx.msk $0xffff, v18  }
0x137: {  	v62 =	vor.u32 s18, v15;
	v20 =	vld.idx.msk [tilespmem:v55+s3+$0x0], $0xffff;
	[tilespmem:v51+s10+$0x0] =	vst.idx.msk $0xffff, v21  }
0x138: {  	v59 =	vor.u32 s19, v15;
	[tilespmem:v52+s10+$0x0] =	vst.idx.msk $0xffff, v28;
	v17 =	vld.idx.msk [tilespmem:v17+s3+$0x0], $0xffff  }
0x139: {  	v61 =	vor.u32 s21, v15;
	v60 =	vld.idx.msk [tilespmem:v54+s3+$0x0], $0xffff;
	[tilespmem:v56+s10+$0x0] =	vst.idx.msk $0xffff, v22  }
0x13a: {  	v63 =	vor.u32 s20, v15;
	[tilespmem:v57+s10+$0x0] =	vst.idx.msk $0xffff, v26;
	v16 =	vld.idx.msk [tilespmem:v16+s3+$0x0], $0xffff  }
0x13b: {  	[tilespmem:v58+s10+$0x0] =	vst.idx.msk $0xffff, v19  }
0x13c: {  	[tilespmem:v62+s10+$0x0] =	vst.idx.msk $0xffff, v20  }
0x13d: {  	[tilespmem:v59+s10+$0x0] =	vst.idx.msk $0xffff, v17  }
0x13e: {  	[tilespmem:v61+s10+$0x0] =	vst.idx.msk $0xffff, v60  }
0x13f: {  	s13 =	sadd.s32 $0x1, s13;
	[tilespmem:v63+s10+$0x0] =	vst.idx.msk $0xffff, v16  }
0x140: {  	[hbm4b:s6+s3] =	stream.linear.scatter [tilespmem:s11], [sflag:$0x1], $0x8000, $0x38;
	[tilespmem:$0x14100] =	vst v63  }
0x141: {  	p0 =	sne.s32 s13, s7;
	_ =	swait.ge [sflag:s12], $0x8000  }
.Ltmp2:
0x142: {  	[sflag:s12] =	ssyncset.done $0x0;
	(pc) =	sbr.rel @p0 .LBB2_1-.Ltmp2, $4  }
0x143: {  	[sflag:s12] =	ssyncadd.s32 $0xFFFF8000  }
0x144: {  	_ =	swait.ge [sflag:s12], $0x8000  }
0x145: {  	[sflag:s12] =	ssyncset.done $0x0  }
0x146: {  	[sflag:s12] =	ssyncadd.s32 $0xFFFF8000  }
0x147: {  	_ =	sfence.sel $0x180000  }
0x148: {  	[bflag:$0x0] =	sbarrier.arrive $0xFFFF  }
0x149: {  	p0 =	sne.s32 s2, $0x0;
	_ =	strace $0x90000047  }
0x14a: {  	s0 =	sadd.s32 @!p0 $0x100000, s0;
	[bflag:$0x2] =	sbarrier.arrive $0xFFFF  }
0x14b: {  	[sflag:s0] =	ssyncadd.tile.s32 @!p0 $0x1;
	_ =	shalt  }
.Lfunc_end2:
_tile_overlayer_lowered:
.L_overlay_start_2:
0x14c: {  	(tag) =	ssettag $0x2  }
0x14d: {  	s0 =	rddreg [dreg:$0x0];
	s2 =	stileid.u32  }
0x14e: {  	s1 =	rddreg [dreg:$0x1];
	p0 =	sne.s32 s2, $0x0  }
0x14f: {  	s3 =	rddreg [dreg:$0x2];
	[bflag:$0x3] =	sbarrier.arrive $0xFFFF;
	s2 =	simm.s32 @!p0 $0x1C02  }
0x150: {  	[timem:s3], [sflag:s2] =	dma.local @!p0 [hbm:s0], s1  }
0x151: {  	s0 =	simm.s32 @!p0 $0x2  }
0x152: {  	_ =	swait.ge @!p0 [sflag:s0], s1  }
0x153: {  	s1 =	ssub.s32 @!p0 $0x0, s1;
	[sflag:s0] =	ssyncset.done @!p0 $0x0  }
0x154: {  	[sflag:s0] =	ssyncadd.s32 @!p0 s1  }
0x155: {  	[bflag:$0x3] =	sbarrier.arrive $0xFFFF  }
0x156: {  	_ =	shalt  }

</sc_bundles>
